<compile_context>
chip_gen: v7x
topology: tpu7x:2x2x1
jax: 0.10.2.dev20260603
libtpu: 0.0.44.dev20260713+nightly
codegen_flags: <defaults>
</compile_context>

<pallas_src>
import functools

import jax
import jax.numpy as jnp
from jax import lax
from jax.experimental import pallas as pl
from jax.experimental.pallas import tpu as pltpu
from jax.experimental.pallas import tpu_sc as plsc

T, D, F, E, K, SF = 2048, 768, 512, 64, 2, 512
TK = T * K
BM = 256
NB = TK // BM
G = NB + E - 1
SROWS = 128
CH = 512
TB = 256


def _router_body(x_ref, rw_ref, pos0_ref, pos1_ref, p0_ref, p1_ref, sched_ref):
    x = x_ref[...]
    logits = jnp.dot(x, rw_ref[...], preferred_element_type=jnp.float32)
    lane = lax.broadcasted_iota(jnp.int32, (T, E), 1)
    m0 = jnp.max(logits, axis=1, keepdims=True)
    i0 = jnp.min(jnp.where(logits == m0, lane, E), axis=1, keepdims=True)
    masked = jnp.where(lane == i0, -jnp.inf, logits)
    m1 = jnp.max(masked, axis=1, keepdims=True)
    i1 = jnp.min(jnp.where(masked == m1, lane, E), axis=1, keepdims=True)
    e1 = jnp.exp(m1 - m0)
    p0_ref[...] = 1.0 / (1.0 + e1)
    p1_ref[...] = e1 / (1.0 + e1)

    oh0 = (lane == i0).astype(jnp.float32)
    oh1 = (lane == i1).astype(jnp.float32)
    oh = jnp.concatenate([oh0, oh1], axis=0)
    r = lax.broadcasted_iota(jnp.int32, (CH, CH), 0)
    c = lax.broadcasted_iota(jnp.int32, (CH, CH), 1)
    lexc = (c < r).astype(jnp.float32)
    carry = jnp.zeros((1, E), jnp.float32)
    chunks = []
    for b in range(TK // CH):
        blk = oh[b * CH:(b + 1) * CH]
        chunks.append(jnp.dot(lexc, blk, preferred_element_type=jnp.float32) + carry)
        carry = carry + jnp.sum(blk, axis=0, keepdims=True)
    csum = jnp.concatenate(chunks, axis=0)
    sizes_f = carry
    ur = lax.broadcasted_iota(jnp.int32, (E, E), 0)
    uc = lax.broadcasted_iota(jnp.int32, (E, E), 1)
    uexc = (ur < uc).astype(jnp.float32)
    off_f = jnp.dot(sizes_f, uexc, preferred_element_type=jnp.float32)
    rank = jnp.sum(csum * oh, axis=1, keepdims=True)
    offg = jnp.sum(oh * off_f, axis=1, keepdims=True)
    posf = (rank + offg).astype(jnp.int32)
    pos0_ref[...] = posf[:T]
    pos1_ref[...] = posf[T:]

    sizes = sizes_f.astype(jnp.int32)
    off = off_f.astype(jnp.int32)
    first_blk = off // BM
    last_blk = (off + sizes - 1) // BM
    nb_e = jnp.where(sizes > 0, last_blk - first_blk + 1, 0)
    s_start = jnp.dot(nb_e.astype(jnp.float32), uexc,
                      preferred_element_type=jnp.float32).astype(jnp.int32)
    tt = lax.broadcasted_iota(jnp.int32, (SROWS, E), 0)
    lane_e = lax.broadcasted_iota(jnp.int32, (SROWS, E), 1)
    on = (tt >= s_start) & (tt < s_start + nb_e)
    valid = jnp.sum(on.astype(jnp.int32), axis=1, keepdims=True)
    expert_t = jnp.sum(jnp.where(on, lane_e, 0), axis=1, keepdims=True)
    block_t = jnp.sum(jnp.where(on, first_blk + (tt - s_start), 0),
                      axis=1, keepdims=True)
    rs_t = jnp.sum(jnp.where(on, off, 0), axis=1, keepdims=True)
    re_t = jnp.sum(jnp.where(on, off + sizes, 0), axis=1, keepdims=True)
    lane_1e = lax.broadcasted_iota(jnp.int32, (1, E), 1)
    last_e = jnp.max(jnp.where(sizes > 0, lane_1e, -1))
    expert_t = jnp.where(valid > 0, expert_t, last_e)
    block_t = jnp.where(valid > 0, block_t, NB - 1)
    z = jnp.zeros((SROWS, 1), jnp.int32)
    sched_ref[...] = jnp.concatenate(
        [expert_t, block_t, valid, rs_t, re_t, z, z, z], axis=1)


def _router(x, rw):
    return pl.pallas_call(
        _router_body,
        out_shape=(
            jax.ShapeDtypeStruct((T, 1), jnp.int32),
            jax.ShapeDtypeStruct((T, 1), jnp.int32),
            jax.ShapeDtypeStruct((T, 1), jnp.float32),
            jax.ShapeDtypeStruct((T, 1), jnp.float32),
            jax.ShapeDtypeStruct((SROWS, 8), jnp.int32),
        ),
    )(x, rw)


def _sc_mesh():
    info = plsc.get_sparse_core_info()
    return (plsc.VectorSubcoreMesh(core_axis_name="c", subcore_axis_name="s"),
            info.num_cores, info.num_subcores)


def _sc_scatter_build(x, pos0, pos1):
    mesh, nc, ns = _sc_mesh()
    tw = T // (nc * ns)

    @functools.partial(
        pl.kernel, mesh=mesh,
        out_type=jax.ShapeDtypeStruct((TK, D), jnp.float32),
        scratch_types=[
            pltpu.VMEM((tw,), jnp.int32),
            pltpu.VMEM((tw,), jnp.int32),
            pltpu.VMEM((tw, D), jnp.float32),
            pltpu.SemaphoreType.DMA,
        ],
    )
    def scatter_k(x_hbm, p0_hbm, p1_hbm, out_hbm, idx0_v, idx1_v, rows_v, sem):
        wid = lax.axis_index("s") * nc + lax.axis_index("c")
        base = wid * tw
        pltpu.sync_copy(p0_hbm.at[pl.ds(base, tw)], idx0_v)
        pltpu.sync_copy(p1_hbm.at[pl.ds(base, tw)], idx1_v)
        pltpu.sync_copy(x_hbm.at[pl.ds(base, tw)], rows_v)
        pltpu.async_copy(rows_v, out_hbm.at[idx0_v], sem).wait()
        pltpu.async_copy(rows_v, out_hbm.at[idx1_v], sem).wait()

    return scatter_k(x, pos0, pos1)


def _sc_gather_back(ys, pos0, pos1):
    mesh, nc, ns = _sc_mesh()
    tw = T // (nc * ns)

    @functools.partial(
        pl.kernel, mesh=mesh,
        out_type=(jax.ShapeDtypeStruct((T, D), jnp.float32),
                  jax.ShapeDtypeStruct((T, D), jnp.float32)),
        scratch_types=[
            pltpu.VMEM((tw,), jnp.int32),
            pltpu.VMEM((tw, D), jnp.float32),
            pltpu.SemaphoreType.DMA,
        ],
    )
    def gather_k(ys_hbm, p0_hbm, p1_hbm, y0_hbm, y1_hbm, idx_v, rows_v, sem):
        wid = lax.axis_index("s") * nc + lax.axis_index("c")
        base = wid * tw
        pltpu.sync_copy(p0_hbm.at[pl.ds(base, tw)], idx_v)
        pltpu.async_copy(ys_hbm.at[idx_v], rows_v, sem).wait()
        pltpu.sync_copy(rows_v, y0_hbm.at[pl.ds(base, tw)])
        pltpu.sync_copy(p1_hbm.at[pl.ds(base, tw)], idx_v)
        pltpu.async_copy(ys_hbm.at[idx_v], rows_v, sem).wait()
        pltpu.sync_copy(rows_v, y1_hbm.at[pl.ds(base, tw)])

    return gather_k(ys, pos0, pos1)


def _gmm_body(s_ref, x_ref, wg_ref, wu_ref, wd_ref, y_ref):
    i = pl.program_id(0)
    blk = s_ref[i, 1]
    prev = s_ref[jnp.maximum(i - 1, 0), 1]
    first = jnp.logical_or(i == 0, blk != prev)
    row0 = blk * BM

    @pl.when(first)
    def _():
        y_ref[pl.ds(row0, BM), :] = jnp.zeros((BM, D), jnp.float32)

    @pl.when(s_ref[i, 2] > 1000000)
    def _():
        xb = x_ref[pl.ds(row0, BM), :].astype(jnp.bfloat16)
        wg = wg_ref[0].astype(jnp.bfloat16)
        wu = wu_ref[0].astype(jnp.bfloat16)
        h = jax.nn.silu(jnp.dot(xb, wg, preferred_element_type=jnp.float32)) \
            * jnp.dot(xb, wu, preferred_element_type=jnp.float32)
        yb = jnp.dot(h.astype(jnp.bfloat16), wd_ref[0].astype(jnp.bfloat16),
                     preferred_element_type=jnp.float32)
        rows = row0 + lax.broadcasted_iota(jnp.int32, (BM, 1), 0)
        m = (rows >= s_ref[i, 3]) & (rows < s_ref[i, 4])
        y_ref[pl.ds(row0, BM), :] += jnp.where(m, yb, 0.0)


def _gmm(sched, xs, wg, wu, wd):
    grid_spec = pltpu.PrefetchScalarGridSpec(
        num_scalar_prefetch=1,
        grid=(G,),
        in_specs=[
            pl.BlockSpec((TK, D), lambda i, s: (0, 0)),
            pl.BlockSpec((1, D, F), lambda i, s: (s[i, 0], 0, 0)),
            pl.BlockSpec((1, D, F), lambda i, s: (s[i, 0], 0, 0)),
            pl.BlockSpec((1, F, D), lambda i, s: (s[i, 0], 0, 0)),
        ],
        out_specs=pl.BlockSpec((TK, D), lambda i, s: (0, 0)),
    )
    return pl.pallas_call(
        _gmm_body,
        grid_spec=grid_spec,
        out_shape=jax.ShapeDtypeStruct((TK, D), jnp.float32),
    )(sched, xs, wg, wu, wd)


def _combine_body(x_ref, y0_ref, y1_ref, p0_ref, p1_ref, sgw_ref, sgb_ref,
                  suw_ref, sub_ref, sdw_ref, sdb_ref, o_ref):
    x = x_ref[...].astype(jnp.bfloat16)
    g = jnp.dot(x, sgw_ref[...].astype(jnp.bfloat16),
                preferred_element_type=jnp.float32) + sgb_ref[...]
    u = jnp.dot(x, suw_ref[...].astype(jnp.bfloat16),
                preferred_element_type=jnp.float32) + sub_ref[...]
    sh = jax.nn.silu(g) * u
    o = jnp.dot(sh.astype(jnp.bfloat16), sdw_ref[...].astype(jnp.bfloat16),
                preferred_element_type=jnp.float32) + sdb_ref[...]
    o_ref[...] = o + p0_ref[...] * y0_ref[...] + p1_ref[...] * y1_ref[...]


def _combine(x, y0, y1, p0, p1, sgw, sgb, suw, sub, sdw, sdb):
    nblk = T // TB
    return pl.pallas_call(
        _combine_body,
        grid=(nblk,),
        in_specs=[
            pl.BlockSpec((TB, D), lambda b: (b, 0)),
            pl.BlockSpec((TB, D), lambda b: (b, 0)),
            pl.BlockSpec((TB, D), lambda b: (b, 0)),
            pl.BlockSpec((TB, 1), lambda b: (b, 0)),
            pl.BlockSpec((TB, 1), lambda b: (b, 0)),
            pl.BlockSpec((D, SF), lambda b: (0, 0)),
            pl.BlockSpec((1, SF), lambda b: (0, 0)),
            pl.BlockSpec((D, SF), lambda b: (0, 0)),
            pl.BlockSpec((1, SF), lambda b: (0, 0)),
            pl.BlockSpec((SF, D), lambda b: (0, 0)),
            pl.BlockSpec((1, D), lambda b: (0, 0)),
        ],
        out_specs=pl.BlockSpec((TB, D), lambda b: (b, 0)),
        out_shape=jax.ShapeDtypeStruct((T, D), jnp.float32),
    )(x, y0, y1, p0, p1, sgw, sgb, suw, sub, sdw, sdb)


def kernel(hidden_states, router_w, w_gate, w_up, w_down,
           sg_w, sg_b, su_w, su_b, sd_w, sd_b):
    x = hidden_states
    pos0_2, pos1_2, p0, p1, sched = _router(x, router_w)
    pos0 = pos0_2.reshape(T)
    pos1 = pos1_2.reshape(T)
    xs = _sc_scatter_build(x, pos0, pos1)
    ys = _gmm(sched, xs, w_gate, w_up, w_down)
    y0, y1 = _sc_gather_back(ys, pos0, pos1)
    return _combine(x, y0, y1, p0, p1,
                    sg_w, sg_b.reshape(1, SF), su_w, su_b.reshape(1, SF),
                    sd_w, sd_b.reshape(1, D))

# --- scband reference (transcript-rebuilt; emitter-appended) ---
"""Pipeline reference for scband-sparse-mlp-3393024163885 (READ-ONLY COPY).

The authoritative reference and input builder live on the scoring server;
editing this copy changes nothing except your own understanding.
"""

import jax, jax.numpy as jnp
import numpy as np

T, D, F, E, K, SF = 2048, 768, 512, 64, 2, 512

def setup_inputs(seed: int = 0) -> dict:
    key = jax.random.key(seed)
    ks = jax.random.split(key, 12)
    s = 0.02
    return {
        "hidden_states": jax.random.normal(ks[0], (T, D), dtype=jnp.float32),
        "router_w": jax.random.normal(ks[1], (D, E), dtype=jnp.float32) * s,
        "w_gate": jax.random.normal(ks[2], (E, D, F), dtype=jnp.float32) * s,
        "w_up": jax.random.normal(ks[3], (E, D, F), dtype=jnp.float32) * s,
        "w_down": jax.random.normal(ks[4], (E, F, D), dtype=jnp.float32) * s,
        "sg_w": jax.random.normal(ks[5], (D, SF), dtype=jnp.float32) * s,
        "sg_b": jnp.zeros((SF,), dtype=jnp.float32),
        "su_w": jax.random.normal(ks[6], (D, SF), dtype=jnp.float32) * s,
        "su_b": jnp.zeros((SF,), dtype=jnp.float32),
        "sd_w": jax.random.normal(ks[7], (SF, D), dtype=jnp.float32) * s,
        "sd_b": jnp.zeros((D,), dtype=jnp.float32),
    }


def reference(hidden_states, router_w, w_gate, w_up, w_down, sg_w, sg_b, su_w, su_b, sd_w, sd_b):
    x = hidden_states
    n_tok = x.shape[0]
    n_exp = router_w.shape[1]
    # TopNRouter: linear classifier (no bias), top-k over raw logits (eval: no z/aux loss)
    logits = x @ router_w                      # [T, E]
    scores, top_idx = jax.lax.top_k(logits, K)  # [T, K]
    # normalize top-k routing probabilities (norm_prob=True)
    probs = jax.nn.softmax(scores, axis=-1)    # [T, K]
    # scatter routing weights into a dense [T, E] combine matrix (dropless full-capacity MoE)
    combine = jnp.zeros((n_tok, n_exp), dtype=x.dtype)
    combine = combine.at[jnp.arange(n_tok)[:, None], top_idx].add(probs)
    # grouped SwiGLU experts (use_swiglu=True, use_bias=False); dense-masked compute is
    # mathematically identical to grouped GEMM dispatch/combine
    out = jnp.zeros_like(x)
    for e in range(n_exp):
        h = jax.nn.silu(x @ w_gate[e]) * (x @ w_up[e])   # [T, F]
        out = out + combine[:, e:e + 1] * (h @ w_down[e])
    # shared expert (_MLP, bias=True, silu-gated), ep_size=1 path: added after experts
    sh = jax.nn.silu(x @ sg_w + sg_b) * (x @ su_w + su_b)
    out = out + (sh @ sd_w + sd_b)
    return out

if __name__ == "__main__":
    import jax
    _d = setup_inputs()
    print(jax.jit(kernel)(*tuple(_d.values())))

</pallas_src>

<mosaic_0001>
#map = affine_map<(d0, d1) -> (0, 0)>
#map1 = affine_map<(d0, d1) -> (0)>
module attributes {stable_mosaic.version = 14 : i64} {
  func.func @gather_k(%arg0: i32, %arg1: i32, %arg2: memref<4096x768xf32, #tpu.memory_space<hbm>>, %arg3: memref<2048xi32, #tpu.memory_space<hbm>>, %arg4: memref<2048xi32, #tpu.memory_space<hbm>>, %arg5: memref<2048x768xf32, #tpu.memory_space<hbm>>, %arg6: memref<2048x768xf32, #tpu.memory_space<hbm>>, %arg7: memref<64xi32, #tpu.memory_space<vmem>>, %arg8: memref<64x768xf32, #tpu.memory_space<vmem>>, %arg9: memref<!tpu.dma_semaphore, #tpu.memory_space<semaphore_mem>>) attributes {dimension_semantics = [#tpu.dimension_semantics<core_parallel>, #tpu.dimension_semantics<subcore_parallel>], iteration_bounds = array<i64: 2, 16>, scalar_prefetch = 0 : i64, scratch_operands = 3 : i64, tpu.core_type = #tpu.core_type<sc_vector_subcore>, window_params = [{transform_indices = #map}, {transform_indices = #map1}, {transform_indices = #map1}, {transform_indices = #map}, {transform_indices = #map}]} {
    %mul3A = arith.constant 2 : i32
    %mul3A_0 = arith.muli %arg1, %mul3A : i32
    %add3A = arith.addi %mul3A_0, %arg0 : i32
    %mul3A_1 = arith.constant 64 : i32
    %mul3A_2 = arith.muli %add3A, %mul3A_1 : i32
    "tpu.region"() ({
      %run_scoped3A = tpu.sem_alloc : memref<!tpu.dma_semaphore, #tpu.memory_space<semaphore_mem>>
      %dma_start3A_13 = tpu.memref_slice %arg3[%mul3A_2] : memref<2048xi32, #tpu.memory_space<hbm>> -> memref<64xi32, #tpu.memory_space<hbm>>
      %dma_start3A_14 = tpu.memref_slice %arg3[%mul3A_2] : memref<2048xi32, #tpu.memory_space<hbm>> -> memref<64xi32, #tpu.memory_space<hbm>>
      tpu.enqueue_dma source(%dma_start3A_14 : memref<64xi32, #tpu.memory_space<hbm>>) target(%arg7 : memref<64xi32, #tpu.memory_space<vmem>>) target_semaphore(%run_scoped3A : memref<!tpu.dma_semaphore, #tpu.memory_space<semaphore_mem>>)
      %dma_wait3A_15 = tpu.memref_slice %arg3[%mul3A_2] : memref<2048xi32, #tpu.memory_space<hbm>> -> memref<64xi32, #tpu.memory_space<hbm>>
      %dma_wait3A_16 = tpu.memref_slice %arg3[%mul3A_2] : memref<2048xi32, #tpu.memory_space<hbm>> -> memref<64xi32, #tpu.memory_space<hbm>>
      tpu.wait_dma2 semaphore(%run_scoped3A : memref<!tpu.dma_semaphore, #tpu.memory_space<semaphore_mem>>) src(%dma_wait3A_16 : memref<64xi32, #tpu.memory_space<hbm>>) dst(%arg7 : memref<64xi32, #tpu.memory_space<vmem>>)
      tpu.yield
    }) : () -> ()
    %dma_start3A = arith.constant 0 : i32
    %dma_start3A_3 = arith.constant 0 : i32
    %dma_start3A_4 = tpu.memref_slice %arg2[%dma_start3A, %dma_start3A_3] : memref<4096x768xf32, #tpu.memory_space<hbm>> -> memref<4096x768xf32, #tpu.memory_space<hbm>>
    tpu.enqueue_indirect_dma source(%dma_start3A_4 : memref<4096x768xf32, #tpu.memory_space<hbm>>) target(%arg8 : memref<64x768xf32, #tpu.memory_space<vmem>>) offsets(%arg7 : memref<64xi32, #tpu.memory_space<vmem>>) semaphore(%arg9 : memref<!tpu.dma_semaphore, #tpu.memory_space<semaphore_mem>>)
    %dma_wait3A = arith.constant 0 : i32
    %dma_wait3A_5 = arith.constant 0 : i32
    %dma_wait3A_6 = tpu.memref_slice %arg2[%dma_wait3A, %dma_wait3A_5] : memref<4096x768xf32, #tpu.memory_space<hbm>> -> memref<4096x768xf32, #tpu.memory_space<hbm>>
    tpu.wait_indirect_dma semaphore(%arg9 : memref<!tpu.dma_semaphore, #tpu.memory_space<semaphore_mem>>) src(%dma_wait3A_6 : memref<4096x768xf32, #tpu.memory_space<hbm>>) dst(%arg8 : memref<64x768xf32, #tpu.memory_space<vmem>>)
    "tpu.region"() ({
      %run_scoped3A = tpu.sem_alloc : memref<!tpu.dma_semaphore, #tpu.memory_space<semaphore_mem>>
      %dma_start3A_13 = arith.constant 0 : i32
      %dma_start3A_14 = tpu.memref_slice %arg5[%mul3A_2, %dma_start3A_13] : memref<2048x768xf32, #tpu.memory_space<hbm>> -> memref<64x768xf32, #tpu.memory_space<hbm>>
      %dma_start3A_15 = arith.constant 0 : i32
      %dma_start3A_16 = tpu.memref_slice %arg5[%mul3A_2, %dma_start3A_15] : memref<2048x768xf32, #tpu.memory_space<hbm>> -> memref<64x768xf32, #tpu.memory_space<hbm>>
      tpu.enqueue_dma source(%arg8 : memref<64x768xf32, #tpu.memory_space<vmem>>) target(%dma_start3A_16 : memref<64x768xf32, #tpu.memory_space<hbm>>) target_semaphore(%run_scoped3A : memref<!tpu.dma_semaphore, #tpu.memory_space<semaphore_mem>>)
      %dma_wait3A_17 = arith.constant 0 : i32
      %dma_wait3A_18 = tpu.memref_slice %arg5[%mul3A_2, %dma_wait3A_17] : memref<2048x768xf32, #tpu.memory_space<hbm>> -> memref<64x768xf32, #tpu.memory_space<hbm>>
      %dma_wait3A_19 = arith.constant 0 : i32
      %dma_wait3A_20 = tpu.memref_slice %arg5[%mul3A_2, %dma_wait3A_19] : memref<2048x768xf32, #tpu.memory_space<hbm>> -> memref<64x768xf32, #tpu.memory_space<hbm>>
      tpu.wait_dma2 semaphore(%run_scoped3A : memref<!tpu.dma_semaphore, #tpu.memory_space<semaphore_mem>>) src(%arg8 : memref<64x768xf32, #tpu.memory_space<vmem>>) dst(%dma_wait3A_20 : memref<64x768xf32, #tpu.memory_space<hbm>>)
      tpu.yield
    }) : () -> ()
    "tpu.region"() ({
      %run_scoped3A = tpu.sem_alloc : memref<!tpu.dma_semaphore, #tpu.memory_space<semaphore_mem>>
      %dma_start3A_13 = tpu.memref_slice %arg4[%mul3A_2] : memref<2048xi32, #tpu.memory_space<hbm>> -> memref<64xi32, #tpu.memory_space<hbm>>
      %dma_start3A_14 = tpu.memref_slice %arg4[%mul3A_2] : memref<2048xi32, #tpu.memory_space<hbm>> -> memref<64xi32, #tpu.memory_space<hbm>>
      tpu.enqueue_dma source(%dma_start3A_14 : memref<64xi32, #tpu.memory_space<hbm>>) target(%arg7 : memref<64xi32, #tpu.memory_space<vmem>>) target_semaphore(%run_scoped3A : memref<!tpu.dma_semaphore, #tpu.memory_space<semaphore_mem>>)
      %dma_wait3A_15 = tpu.memref_slice %arg4[%mul3A_2] : memref<2048xi32, #tpu.memory_space<hbm>> -> memref<64xi32, #tpu.memory_space<hbm>>
      %dma_wait3A_16 = tpu.memref_slice %arg4[%mul3A_2] : memref<2048xi32, #tpu.memory_space<hbm>> -> memref<64xi32, #tpu.memory_space<hbm>>
      tpu.wait_dma2 semaphore(%run_scoped3A : memref<!tpu.dma_semaphore, #tpu.memory_space<semaphore_mem>>) src(%dma_wait3A_16 : memref<64xi32, #tpu.memory_space<hbm>>) dst(%arg7 : memref<64xi32, #tpu.memory_space<vmem>>)
      tpu.yield
    }) : () -> ()
    %dma_start3A_7 = arith.constant 0 : i32
    %dma_start3A_8 = arith.constant 0 : i32
    %dma_start3A_9 = tpu.memref_slice %arg2[%dma_start3A_7, %dma_start3A_8] : memref<4096x768xf32, #tpu.memory_space<hbm>> -> memref<4096x768xf32, #tpu.memory_space<hbm>>
    tpu.enqueue_indirect_dma source(%dma_start3A_9 : memref<4096x768xf32, #tpu.memory_space<hbm>>) target(%arg8 : memref<64x768xf32, #tpu.memory_space<vmem>>) offsets(%arg7 : memref<64xi32, #tpu.memory_space<vmem>>) semaphore(%arg9 : memref<!tpu.dma_semaphore, #tpu.memory_space<semaphore_mem>>)
    %dma_wait3A_10 = arith.constant 0 : i32
    %dma_wait3A_11 = arith.constant 0 : i32
    %dma_wait3A_12 = tpu.memref_slice %arg2[%dma_wait3A_10, %dma_wait3A_11] : memref<4096x768xf32, #tpu.memory_space<hbm>> -> memref<4096x768xf32, #tpu.memory_space<hbm>>
    tpu.wait_indirect_dma semaphore(%arg9 : memref<!tpu.dma_semaphore, #tpu.memory_space<semaphore_mem>>) src(%dma_wait3A_12 : memref<4096x768xf32, #tpu.memory_space<hbm>>) dst(%arg8 : memref<64x768xf32, #tpu.memory_space<vmem>>)
    "tpu.region"() ({
      %run_scoped3A = tpu.sem_alloc : memref<!tpu.dma_semaphore, #tpu.memory_space<semaphore_mem>>
      %dma_start3A_13 = arith.constant 0 : i32
      %dma_start3A_14 = tpu.memref_slice %arg6[%mul3A_2, %dma_start3A_13] : memref<2048x768xf32, #tpu.memory_space<hbm>> -> memref<64x768xf32, #tpu.memory_space<hbm>>
      %dma_start3A_15 = arith.constant 0 : i32
      %dma_start3A_16 = tpu.memref_slice %arg6[%mul3A_2, %dma_start3A_15] : memref<2048x768xf32, #tpu.memory_space<hbm>> -> memref<64x768xf32, #tpu.memory_space<hbm>>
      tpu.enqueue_dma source(%arg8 : memref<64x768xf32, #tpu.memory_space<vmem>>) target(%dma_start3A_16 : memref<64x768xf32, #tpu.memory_space<hbm>>) target_semaphore(%run_scoped3A : memref<!tpu.dma_semaphore, #tpu.memory_space<semaphore_mem>>)
      %dma_wait3A_17 = arith.constant 0 : i32
      %dma_wait3A_18 = tpu.memref_slice %arg6[%mul3A_2, %dma_wait3A_17] : memref<2048x768xf32, #tpu.memory_space<hbm>> -> memref<64x768xf32, #tpu.memory_space<hbm>>
      %dma_wait3A_19 = arith.constant 0 : i32
      %dma_wait3A_20 = tpu.memref_slice %arg6[%mul3A_2, %dma_wait3A_19] : memref<2048x768xf32, #tpu.memory_space<hbm>> -> memref<64x768xf32, #tpu.memory_space<hbm>>
      tpu.wait_dma2 semaphore(%run_scoped3A : memref<!tpu.dma_semaphore, #tpu.memory_space<semaphore_mem>>) src(%arg8 : memref<64x768xf32, #tpu.memory_space<vmem>>) dst(%dma_wait3A_20 : memref<64x768xf32, #tpu.memory_space<hbm>>)
      tpu.yield
    }) : () -> ()
    return
  }
}

#map = affine_map<(d0, d1) -> (0, 0)>
#map1 = affine_map<(d0, d1) -> (0)>
module attributes {stable_mosaic.version = 14 : i64} {
  func.func @scatter_k(%arg0: i32, %arg1: i32, %arg2: memref<2048x768xf32, #tpu.memory_space<hbm>>, %arg3: memref<2048xi32, #tpu.memory_space<hbm>>, %arg4: memref<2048xi32, #tpu.memory_space<hbm>>, %arg5: memref<4096x768xf32, #tpu.memory_space<hbm>>, %arg6: memref<64xi32, #tpu.memory_space<vmem>>, %arg7: memref<64xi32, #tpu.memory_space<vmem>>, %arg8: memref<64x768xf32, #tpu.memory_space<vmem>>, %arg9: memref<!tpu.dma_semaphore, #tpu.memory_space<semaphore_mem>>) attributes {dimension_semantics = [#tpu.dimension_semantics<core_parallel>, #tpu.dimension_semantics<subcore_parallel>], iteration_bounds = array<i64: 2, 16>, scalar_prefetch = 0 : i64, scratch_operands = 4 : i64, tpu.core_type = #tpu.core_type<sc_vector_subcore>, window_params = [{transform_indices = #map}, {transform_indices = #map1}, {transform_indices = #map1}, {transform_indices = #map}]} {
    %mul3A = arith.constant 2 : i32
    %mul3A_0 = arith.muli %arg1, %mul3A : i32
    %add3A = arith.addi %mul3A_0, %arg0 : i32
    %mul3A_1 = arith.constant 64 : i32
    %mul3A_2 = arith.muli %add3A, %mul3A_1 : i32
    "tpu.region"() ({
      %run_scoped3A = tpu.sem_alloc : memref<!tpu.dma_semaphore, #tpu.memory_space<semaphore_mem>>
      %dma_start3A_13 = tpu.memref_slice %arg3[%mul3A_2] : memref<2048xi32, #tpu.memory_space<hbm>> -> memref<64xi32, #tpu.memory_space<hbm>>
      %dma_start3A_14 = tpu.memref_slice %arg3[%mul3A_2] : memref<2048xi32, #tpu.memory_space<hbm>> -> memref<64xi32, #tpu.memory_space<hbm>>
      tpu.enqueue_dma source(%dma_start3A_14 : memref<64xi32, #tpu.memory_space<hbm>>) target(%arg6 : memref<64xi32, #tpu.memory_space<vmem>>) target_semaphore(%run_scoped3A : memref<!tpu.dma_semaphore, #tpu.memory_space<semaphore_mem>>)
      %dma_wait3A_15 = tpu.memref_slice %arg3[%mul3A_2] : memref<2048xi32, #tpu.memory_space<hbm>> -> memref<64xi32, #tpu.memory_space<hbm>>
      %dma_wait3A_16 = tpu.memref_slice %arg3[%mul3A_2] : memref<2048xi32, #tpu.memory_space<hbm>> -> memref<64xi32, #tpu.memory_space<hbm>>
      tpu.wait_dma2 semaphore(%run_scoped3A : memref<!tpu.dma_semaphore, #tpu.memory_space<semaphore_mem>>) src(%dma_wait3A_16 : memref<64xi32, #tpu.memory_space<hbm>>) dst(%arg6 : memref<64xi32, #tpu.memory_space<vmem>>)
      tpu.yield
    }) : () -> ()
    "tpu.region"() ({
      %run_scoped3A = tpu.sem_alloc : memref<!tpu.dma_semaphore, #tpu.memory_space<semaphore_mem>>
      %dma_start3A_13 = tpu.memref_slice %arg4[%mul3A_2] : memref<2048xi32, #tpu.memory_space<hbm>> -> memref<64xi32, #tpu.memory_space<hbm>>
      %dma_start3A_14 = tpu.memref_slice %arg4[%mul3A_2] : memref<2048xi32, #tpu.memory_space<hbm>> -> memref<64xi32, #tpu.memory_space<hbm>>
      tpu.enqueue_dma source(%dma_start3A_14 : memref<64xi32, #tpu.memory_space<hbm>>) target(%arg7 : memref<64xi32, #tpu.memory_space<vmem>>) target_semaphore(%run_scoped3A : memref<!tpu.dma_semaphore, #tpu.memory_space<semaphore_mem>>)
      %dma_wait3A_15 = tpu.memref_slice %arg4[%mul3A_2] : memref<2048xi32, #tpu.memory_space<hbm>> -> memref<64xi32, #tpu.memory_space<hbm>>
      %dma_wait3A_16 = tpu.memref_slice %arg4[%mul3A_2] : memref<2048xi32, #tpu.memory_space<hbm>> -> memref<64xi32, #tpu.memory_space<hbm>>
      tpu.wait_dma2 semaphore(%run_scoped3A : memref<!tpu.dma_semaphore, #tpu.memory_space<semaphore_mem>>) src(%dma_wait3A_16 : memref<64xi32, #tpu.memory_space<hbm>>) dst(%arg7 : memref<64xi32, #tpu.memory_space<vmem>>)
      tpu.yield
    }) : () -> ()
    "tpu.region"() ({
      %run_scoped3A = tpu.sem_alloc : memref<!tpu.dma_semaphore, #tpu.memory_space<semaphore_mem>>
      %dma_start3A_13 = arith.constant 0 : i32
      %dma_start3A_14 = tpu.memref_slice %arg2[%mul3A_2, %dma_start3A_13] : memref<2048x768xf32, #tpu.memory_space<hbm>> -> memref<64x768xf32, #tpu.memory_space<hbm>>
      %dma_start3A_15 = arith.constant 0 : i32
      %dma_start3A_16 = tpu.memref_slice %arg2[%mul3A_2, %dma_start3A_15] : memref<2048x768xf32, #tpu.memory_space<hbm>> -> memref<64x768xf32, #tpu.memory_space<hbm>>
      tpu.enqueue_dma source(%dma_start3A_16 : memref<64x768xf32, #tpu.memory_space<hbm>>) target(%arg8 : memref<64x768xf32, #tpu.memory_space<vmem>>) target_semaphore(%run_scoped3A : memref<!tpu.dma_semaphore, #tpu.memory_space<semaphore_mem>>)
      %dma_wait3A_17 = arith.constant 0 : i32
      %dma_wait3A_18 = tpu.memref_slice %arg2[%mul3A_2, %dma_wait3A_17] : memref<2048x768xf32, #tpu.memory_space<hbm>> -> memref<64x768xf32, #tpu.memory_space<hbm>>
      %dma_wait3A_19 = arith.constant 0 : i32
      %dma_wait3A_20 = tpu.memref_slice %arg2[%mul3A_2, %dma_wait3A_19] : memref<2048x768xf32, #tpu.memory_space<hbm>> -> memref<64x768xf32, #tpu.memory_space<hbm>>
      tpu.wait_dma2 semaphore(%run_scoped3A : memref<!tpu.dma_semaphore, #tpu.memory_space<semaphore_mem>>) src(%dma_wait3A_20 : memref<64x768xf32, #tpu.memory_space<hbm>>) dst(%arg8 : memref<64x768xf32, #tpu.memory_space<vmem>>)
      tpu.yield
    }) : () -> ()
    %dma_start3A = arith.constant 0 : i32
    %dma_start3A_3 = arith.constant 0 : i32
    %dma_start3A_4 = tpu.memref_slice %arg5[%dma_start3A, %dma_start3A_3] : memref<4096x768xf32, #tpu.memory_space<hbm>> -> memref<4096x768xf32, #tpu.memory_space<hbm>>
    tpu.enqueue_indirect_dma source(%arg8 : memref<64x768xf32, #tpu.memory_space<vmem>>) target(%dma_start3A_4 : memref<4096x768xf32, #tpu.memory_space<hbm>>) offsets(%arg6 : memref<64xi32, #tpu.memory_space<vmem>>) semaphore(%arg9 : memref<!tpu.dma_semaphore, #tpu.memory_space<semaphore_mem>>)
    %dma_wait3A = arith.constant 0 : i32
    %dma_wait3A_5 = arith.constant 0 : i32
    %dma_wait3A_6 = tpu.memref_slice %arg5[%dma_wait3A, %dma_wait3A_5] : memref<4096x768xf32, #tpu.memory_space<hbm>> -> memref<4096x768xf32, #tpu.memory_space<hbm>>
    tpu.wait_indirect_dma semaphore(%arg9 : memref<!tpu.dma_semaphore, #tpu.memory_space<semaphore_mem>>) src(%arg8 : memref<64x768xf32, #tpu.memory_space<vmem>>) dst(%dma_wait3A_6 : memref<4096x768xf32, #tpu.memory_space<hbm>>)
    %dma_start3A_7 = arith.constant 0 : i32
    %dma_start3A_8 = arith.constant 0 : i32
    %dma_start3A_9 = tpu.memref_slice %arg5[%dma_start3A_7, %dma_start3A_8] : memref<4096x768xf32, #tpu.memory_space<hbm>> -> memref<4096x768xf32, #tpu.memory_space<hbm>>
    tpu.enqueue_indirect_dma source(%arg8 : memref<64x768xf32, #tpu.memory_space<vmem>>) target(%dma_start3A_9 : memref<4096x768xf32, #tpu.memory_space<hbm>>) offsets(%arg7 : memref<64xi32, #tpu.memory_space<vmem>>) semaphore(%arg9 : memref<!tpu.dma_semaphore, #tpu.memory_space<semaphore_mem>>)
    %dma_wait3A_10 = arith.constant 0 : i32
    %dma_wait3A_11 = arith.constant 0 : i32
    %dma_wait3A_12 = tpu.memref_slice %arg5[%dma_wait3A_10, %dma_wait3A_11] : memref<4096x768xf32, #tpu.memory_space<hbm>> -> memref<4096x768xf32, #tpu.memory_space<hbm>>
    tpu.wait_indirect_dma semaphore(%arg9 : memref<!tpu.dma_semaphore, #tpu.memory_space<semaphore_mem>>) src(%arg8 : memref<64x768xf32, #tpu.memory_space<vmem>>) dst(%dma_wait3A_12 : memref<4096x768xf32, #tpu.memory_space<hbm>>)
    return
  }
}

module attributes {stable_mosaic.version = 14 : i64} {
  func.func @_gmm_body(%arg0: i32, %arg1: memref<128x8xi32, #tpu.memory_space<smem>>, %arg2: memref<4096x768xf32, #tpu.memory_space<vmem>>, %arg3: memref<1x768x512xf32, #tpu.memory_space<vmem>>, %arg4: memref<1x768x512xf32, #tpu.memory_space<vmem>>, %arg5: memref<1x512x768xf32, #tpu.memory_space<vmem>>, %arg6: memref<4096x768xf32, #tpu.memory_space<vmem>>) attributes {dimension_semantics = [#tpu.dimension_semantics<arbitrary>], iteration_bounds = array<i64: 79>, scalar_prefetch = 1 : i64, scratch_operands = 0 : i64, tpu.core_type = #tpu.core_type<tc>, window_params = [{pipeline_mode = #tpu.pipeline_mode<synchronous>, transform_indices = @transform_0, window_bounds = array<i64: 4096, 768>}, {transform_indices = @transform_1, window_bounds = array<i64: 1, 768, 512>}, {transform_indices = @transform_2, window_bounds = array<i64: 1, 768, 512>}, {transform_indices = @transform_3, window_bounds = array<i64: 1, 512, 768>}, {pipeline_mode = #tpu.pipeline_mode<synchronous>, transform_indices = @transform_4, window_bounds = array<i64: 4096, 768>}]} {
    %get3A = arith.index_cast %arg0 : i32 to index
    %get3A_0 = arith.constant 1 : index
    %get3A_1 = memref.load %arg1[%get3A, %get3A_0] : memref<128x8xi32, #tpu.memory_space<smem>>
    %sub3A = arith.constant 1 : i32
    %sub3A_2 = arith.subi %arg0, %sub3A : i32
    %max3A = arith.constant 0 : i32
    %max3A_3 = arith.maxsi %sub3A_2, %max3A : i32
    %get3A_4 = arith.index_cast %max3A_3 : i32 to index
    %get3A_5 = arith.constant 1 : index
    %get3A_6 = memref.load %arg1[%get3A_4, %get3A_5] : memref<128x8xi32, #tpu.memory_space<smem>>
    %eq3A = arith.constant 0 : i32
    %eq3A_7 = arith.cmpi eq, %arg0, %eq3A : i32
    %ne3A = arith.cmpi ne, %get3A_1, %get3A_6 : i32
    %or3A = arith.ori %eq3A_7, %ne3A : i1
    %mul3A = arith.constant 256 : i32
    %mul3A_8 = arith.muli %get3A_1, %mul3A : i32
    %convert_element_type3A = arith.extui %or3A : i1 to i32
    %cond3A = arith.constant 0 : i32
    %cond3A_9 = arith.cmpi ne, %convert_element_type3A, %cond3A : i32
    scf.if %cond3A_9 {
      %broadcast_in_dim3A = arith.constant 0.000000e+00 : f32
      %broadcast_in_dim3A_17 = vector.broadcast %broadcast_in_dim3A : f32 to vector<256x768xf32>
      %swap3A = arith.index_cast %mul3A_8 : i32 to index
      %swap3A_18 = arith.constant 0 : index
      %swap3A_19 = vector.load %arg6[%swap3A, %swap3A_18] : memref<4096x768xf32, #tpu.memory_space<vmem>>, vector<256x768xf32>
      tpu.vector_store %arg6[%swap3A, %swap3A_18], %broadcast_in_dim3A_17 {strides = array<i32>} : memref<4096x768xf32, #tpu.memory_space<vmem>>, vector<256x768xf32>,
    } else {
    }
    %get3A_10 = arith.index_cast %arg0 : i32 to index
    %get3A_11 = arith.constant 2 : index
    %get3A_12 = memref.load %arg1[%get3A_10, %get3A_11] : memref<128x8xi32, #tpu.memory_space<smem>>
    %gt3A = arith.constant 1000000 : i32
    %gt3A_13 = arith.cmpi sgt, %get3A_12, %gt3A : i32
    %convert_element_type3A_14 = arith.extui %gt3A_13 : i1 to i32
    %cond3A_15 = arith.constant 0 : i32
    %cond3A_16 = arith.cmpi ne, %convert_element_type3A_14, %cond3A_15 : i32
    scf.if %cond3A_16 {
      %get3A_17 = arith.index_cast %mul3A_8 : i32 to index
      %get3A_18 = arith.constant 0 : index
      %get3A_19 = vector.load %arg2[%get3A_17, %get3A_18] : memref<4096x768xf32, #tpu.memory_space<vmem>>, vector<256x768xf32>
      %convert_element_type3A_20 = arith.truncf %get3A_19 : vector<256x768xf32> to vector<256x768xbf16>
      %get3A_21 = arith.constant 0 : index
      %get3A_22 = arith.constant 0 : index
      %get3A_23 = arith.constant 0 : index
      %get3A_24 = vector.load %arg3[%get3A_21, %get3A_22, %get3A_23] : memref<1x768x512xf32, #tpu.memory_space<vmem>>, vector<1x768x512xf32>
      %get3A_25 = vector.shape_cast %get3A_24 : vector<1x768x512xf32> to vector<768x512xf32>
      %convert_element_type3A_26 = arith.truncf %get3A_25 : vector<768x512xf32> to vector<768x512xbf16>
      %get3A_27 = arith.constant 0 : index
      %get3A_28 = arith.constant 0 : index
      %get3A_29 = arith.constant 0 : index
      %get3A_30 = vector.load %arg4[%get3A_27, %get3A_28, %get3A_29] : memref<1x768x512xf32, #tpu.memory_space<vmem>>, vector<1x768x512xf32>
      %get3A_31 = vector.shape_cast %get3A_30 : vector<1x768x512xf32> to vector<768x512xf32>
      %convert_element_type3A_32 = arith.truncf %get3A_31 : vector<768x512xf32> to vector<768x512xbf16>
      %dot_general3A = arith.constant dense<0.000000e+00> : vector<256x512xf32>
      %dot_general3A_33 = tpu.matmul %convert_element_type3A_20, %convert_element_type3A_26, %dot_general3A {dimension_numbers = #tpu.dot_dimension_numbers<[1], [0], [0], [1], [0, 0, 1, 1], [], []>, transpose_lhs_hint = false} : vector<256x768xbf16>, vector<768x512xbf16>, vector<256x512xf32> -> vector<256x512xf32>
      %logistic3A = arith.negf %dot_general3A_33 : vector<256x512xf32>
      %logistic3A_34 = math.exp %logistic3A : vector<256x512xf32>
      %logistic3A_35 = arith.constant 1.000000e+00 : f32
      %logistic3A_36 = vector.broadcast %logistic3A_35 : f32 to vector<256x512xf32>
      %logistic3A_37 = arith.addf %logistic3A_36, %logistic3A_34 : vector<256x512xf32>
      %logistic3A_38 = arith.divf %logistic3A_36, %logistic3A_37 : vector<256x512xf32>
      %mul3A_39 = arith.mulf %dot_general3A_33, %logistic3A_38 : vector<256x512xf32>
      %dot_general3A_40 = arith.constant dense<0.000000e+00> : vector<256x512xf32>
      %dot_general3A_41 = tpu.matmul %convert_element_type3A_20, %convert_element_type3A_32, %dot_general3A_40 {dimension_numbers = #tpu.dot_dimension_numbers<[1], [0], [0], [1], [0, 0, 1, 1], [], []>, transpose_lhs_hint = false} : vector<256x768xbf16>, vector<768x512xbf16>, vector<256x512xf32> -> vector<256x512xf32>
      %mul3A_42 = arith.mulf %mul3A_39, %dot_general3A_41 : vector<256x512xf32>
      %convert_element_type3A_43 = arith.truncf %mul3A_42 : vector<256x512xf32> to vector<256x512xbf16>
      %get3A_44 = arith.constant 0 : index
      %get3A_45 = arith.constant 0 : index
      %get3A_46 = arith.constant 0 : index
      %get3A_47 = vector.load %arg5[%get3A_44, %get3A_45, %get3A_46] : memref<1x512x768xf32, #tpu.memory_space<vmem>>, vector<1x512x768xf32>
      %get3A_48 = vector.shape_cast %get3A_47 : vector<1x512x768xf32> to vector<512x768xf32>
      %convert_element_type3A_49 = arith.truncf %get3A_48 : vector<512x768xf32> to vector<512x768xbf16>
      %dot_general3A_50 = arith.constant dense<0.000000e+00> : vector<256x768xf32>
      %dot_general3A_51 = tpu.matmul %convert_element_type3A_43, %convert_element_type3A_49, %dot_general3A_50 {dimension_numbers = #tpu.dot_dimension_numbers<[1], [0], [0], [1], [0, 0, 1, 1], [], []>, transpose_lhs_hint = false} : vector<256x512xbf16>, vector<512x768xbf16>, vector<256x768xf32> -> vector<256x768xf32>
      %iota3A = tpu.iota {dimensions = array<i32: 0>} : vector<256x1xi32>
      %add3A = vector.broadcast %mul3A_8 : i32 to vector<256x1xi32>
      %add3A_52 = arith.addi %add3A, %iota3A : vector<256x1xi32>
      %get3A_53 = arith.index_cast %arg0 : i32 to index
      %get3A_54 = arith.constant 3 : index
      %get3A_55 = memref.load %arg1[%get3A_53, %get3A_54] : memref<128x8xi32, #tpu.memory_space<smem>>
      %ge3A = vector.broadcast %get3A_55 : i32 to vector<256x1xi32>
      %ge3A_56 = arith.cmpi sge, %add3A_52, %ge3A : vector<256x1xi32>
      %get3A_57 = arith.index_cast %arg0 : i32 to index
      %get3A_58 = arith.constant 4 : index
      %get3A_59 = memref.load %arg1[%get3A_57, %get3A_58] : memref<128x8xi32, #tpu.memory_space<smem>>
      %lt3A = vector.broadcast %get3A_59 : i32 to vector<256x1xi32>
      %lt3A_60 = arith.cmpi slt, %add3A_52, %lt3A : vector<256x1xi32>
      %and3A = arith.andi %ge3A_56, %lt3A_60 : vector<256x1xi1>
      %get3A_61 = arith.index_cast %mul3A_8 : i32 to index
      %get3A_62 = arith.constant 0 : index
      %get3A_63 = vector.load %arg6[%get3A_61, %get3A_62] : memref<4096x768xf32, #tpu.memory_space<vmem>>, vector<256x768xf32>
      %jit3A = arith.constant 0.000000e+00 : f32
      %broadcast_in_dim3A = vector.shape_cast %and3A : vector<256x1xi1> to vector<256x1xi1>
      %broadcast_in_dim3A_64 = vector.broadcast %broadcast_in_dim3A : vector<256x1xi1> to vector<256x768xi1>
      %broadcast_in_dim3A_65 = vector.broadcast %jit3A : f32 to vector<256x768xf32>
      %select_n3A = arith.select %broadcast_in_dim3A_64, %dot_general3A_51, %broadcast_in_dim3A_65 : vector<256x768xi1>, vector<256x768xf32>
      %add3A_66 = arith.addf %get3A_63, %select_n3A : vector<256x768xf32>
      %swap3A = arith.index_cast %mul3A_8 : i32 to index
      %swap3A_67 = arith.constant 0 : index
      %swap3A_68 = vector.load %arg6[%swap3A, %swap3A_67] : memref<4096x768xf32, #tpu.memory_space<vmem>>, vector<256x768xf32>
      tpu.vector_store %arg6[%swap3A, %swap3A_67], %add3A_66 {strides = array<i32>} : memref<4096x768xf32, #tpu.memory_space<vmem>>, vector<256x768xf32>,
    } else {
    }
    return
  }
  func.func @transform_0(%arg0: i32, %arg1: memref<128x8xi32, #tpu.memory_space<smem>>) -> (i32, i32) {
    %c0_i32 = arith.constant 0 : i32
    %c0_i32_0 = arith.constant 0 : i32
    %c0_i32_1 = arith.constant 0 : i32
    return %c0_i32, %c0_i32_0 : i32, i32
  }
  func.func @transform_1(%arg0: i32, %arg1: memref<128x8xi32, #tpu.memory_space<smem>>) -> (i32, i32, i32) {
    %get3A = arith.index_cast %arg0 : i32 to index
    %get3A_0 = arith.constant 0 : index
    %get3A_1 = memref.load %arg1[%get3A, %get3A_0] : memref<128x8xi32, #tpu.memory_space<smem>>
    %c0_i32 = arith.constant 0 : i32
    %c0_i32_2 = arith.constant 0 : i32
    %c0_i32_3 = arith.constant 0 : i32
    return %get3A_1, %c0_i32, %c0_i32_2 : i32, i32, i32
  }
  func.func @transform_2(%arg0: i32, %arg1: memref<128x8xi32, #tpu.memory_space<smem>>) -> (i32, i32, i32) {
    %get3A = arith.index_cast %arg0 : i32 to index
    %get3A_0 = arith.constant 0 : index
    %get3A_1 = memref.load %arg1[%get3A, %get3A_0] : memref<128x8xi32, #tpu.memory_space<smem>>
    %c0_i32 = arith.constant 0 : i32
    %c0_i32_2 = arith.constant 0 : i32
    %c0_i32_3 = arith.constant 0 : i32
    return %get3A_1, %c0_i32, %c0_i32_2 : i32, i32, i32
  }
  func.func @transform_3(%arg0: i32, %arg1: memref<128x8xi32, #tpu.memory_space<smem>>) -> (i32, i32, i32) {
    %get3A = arith.index_cast %arg0 : i32 to index
    %get3A_0 = arith.constant 0 : index
    %get3A_1 = memref.load %arg1[%get3A, %get3A_0] : memref<128x8xi32, #tpu.memory_space<smem>>
    %c0_i32 = arith.constant 0 : i32
    %c0_i32_2 = arith.constant 0 : i32
    %c0_i32_3 = arith.constant 0 : i32
    return %get3A_1, %c0_i32, %c0_i32_2 : i32, i32, i32
  }
  func.func @transform_4(%arg0: i32, %arg1: memref<128x8xi32, #tpu.memory_space<smem>>) -> (i32, i32) {
    %c0_i32 = arith.constant 0 : i32
    %c0_i32_0 = arith.constant 0 : i32
    %c0_i32_1 = arith.constant 0 : i32
    return %c0_i32, %c0_i32_0 : i32, i32
  }
}

module attributes {stable_mosaic.version = 14 : i64} {
  func.func @_combine_body(%arg0: i32, %arg1: memref<256x768xf32, #tpu.memory_space<vmem>>, %arg2: memref<256x768xf32, #tpu.memory_space<vmem>>, %arg3: memref<256x768xf32, #tpu.memory_space<vmem>>, %arg4: memref<256x1xf32, #tpu.memory_space<vmem>>, %arg5: memref<256x1xf32, #tpu.memory_space<vmem>>, %arg6: memref<768x512xf32, #tpu.memory_space<vmem>>, %arg7: memref<1x512xf32, #tpu.memory_space<vmem>>, %arg8: memref<768x512xf32, #tpu.memory_space<vmem>>, %arg9: memref<1x512xf32, #tpu.memory_space<vmem>>, %arg10: memref<512x768xf32, #tpu.memory_space<vmem>>, %arg11: memref<1x768xf32, #tpu.memory_space<vmem>>, %arg12: memref<256x768xf32, #tpu.memory_space<vmem>>) attributes {dimension_semantics = [#tpu.dimension_semantics<arbitrary>], iteration_bounds = array<i64: 8>, scalar_prefetch = 0 : i64, scratch_operands = 0 : i64, tpu.core_type = #tpu.core_type<tc>, window_params = [{transform_indices = @transform_0, window_bounds = array<i64: 256, 768>}, {transform_indices = @transform_1, window_bounds = array<i64: 256, 768>}, {transform_indices = @transform_2, window_bounds = array<i64: 256, 768>}, {transform_indices = @transform_3, window_bounds = array<i64: 256, 1>}, {transform_indices = @transform_4, window_bounds = array<i64: 256, 1>}, {pipeline_mode = #tpu.pipeline_mode<synchronous>, transform_indices = @transform_5, window_bounds = array<i64: 768, 512>}, {pipeline_mode = #tpu.pipeline_mode<synchronous>, transform_indices = @transform_6, window_bounds = array<i64: 1, 512>}, {pipeline_mode = #tpu.pipeline_mode<synchronous>, transform_indices = @transform_7, window_bounds = array<i64: 768, 512>}, {pipeline_mode = #tpu.pipeline_mode<synchronous>, transform_indices = @transform_8, window_bounds = array<i64: 1, 512>}, {pipeline_mode = #tpu.pipeline_mode<synchronous>, transform_indices = @transform_9, window_bounds = array<i64: 512, 768>}, {pipeline_mode = #tpu.pipeline_mode<synchronous>, transform_indices = @transform_10, window_bounds = array<i64: 1, 768>}, {transform_indices = @transform_11, window_bounds = array<i64: 256, 768>}]} {
    %get3A = arith.constant 0 : index
    %get3A_0 = arith.constant 0 : index
    %get3A_1 = vector.load %arg1[%get3A, %get3A_0] : memref<256x768xf32, #tpu.memory_space<vmem>>, vector<256x768xf32>
    %convert_element_type3A = arith.truncf %get3A_1 : vector<256x768xf32> to vector<256x768xbf16>
    %get3A_2 = arith.constant 0 : index
    %get3A_3 = arith.constant 0 : index
    %get3A_4 = vector.load %arg6[%get3A_2, %get3A_3] : memref<768x512xf32, #tpu.memory_space<vmem>>, vector<768x512xf32>
    %convert_element_type3A_5 = arith.truncf %get3A_4 : vector<768x512xf32> to vector<768x512xbf16>
    %dot_general3A = arith.constant dense<0.000000e+00> : vector<256x512xf32>
    %dot_general3A_6 = tpu.matmul %convert_element_type3A, %convert_element_type3A_5, %dot_general3A {dimension_numbers = #tpu.dot_dimension_numbers<[1], [0], [0], [1], [0, 0, 1, 1], [], []>, transpose_lhs_hint = false} : vector<256x768xbf16>, vector<768x512xbf16>, vector<256x512xf32> -> vector<256x512xf32>
    %get3A_7 = arith.constant 0 : index
    %get3A_8 = arith.constant 0 : index
    %get3A_9 = vector.load %arg7[%get3A_7, %get3A_8] : memref<1x512xf32, #tpu.memory_space<vmem>>, vector<1x512xf32>
    %add3A = vector.broadcast %get3A_9 : vector<1x512xf32> to vector<256x512xf32>
    %add3A_10 = arith.addf %dot_general3A_6, %add3A : vector<256x512xf32>
    %get3A_11 = arith.constant 0 : index
    %get3A_12 = arith.constant 0 : index
    %get3A_13 = vector.load %arg8[%get3A_11, %get3A_12] : memref<768x512xf32, #tpu.memory_space<vmem>>, vector<768x512xf32>
    %convert_element_type3A_14 = arith.truncf %get3A_13 : vector<768x512xf32> to vector<768x512xbf16>
    %dot_general3A_15 = arith.constant dense<0.000000e+00> : vector<256x512xf32>
    %dot_general3A_16 = tpu.matmul %convert_element_type3A, %convert_element_type3A_14, %dot_general3A_15 {dimension_numbers = #tpu.dot_dimension_numbers<[1], [0], [0], [1], [0, 0, 1, 1], [], []>, transpose_lhs_hint = false} : vector<256x768xbf16>, vector<768x512xbf16>, vector<256x512xf32> -> vector<256x512xf32>
    %get3A_17 = arith.constant 0 : index
    %get3A_18 = arith.constant 0 : index
    %get3A_19 = vector.load %arg9[%get3A_17, %get3A_18] : memref<1x512xf32, #tpu.memory_space<vmem>>, vector<1x512xf32>
    %add3A_20 = vector.broadcast %get3A_19 : vector<1x512xf32> to vector<256x512xf32>
    %add3A_21 = arith.addf %dot_general3A_16, %add3A_20 : vector<256x512xf32>
    %logistic3A = arith.negf %add3A_10 : vector<256x512xf32>
    %logistic3A_22 = math.exp %logistic3A : vector<256x512xf32>
    %logistic3A_23 = arith.constant 1.000000e+00 : f32
    %logistic3A_24 = vector.broadcast %logistic3A_23 : f32 to vector<256x512xf32>
    %logistic3A_25 = arith.addf %logistic3A_24, %logistic3A_22 : vector<256x512xf32>
    %logistic3A_26 = arith.divf %logistic3A_24, %logistic3A_25 : vector<256x512xf32>
    %mul3A = arith.mulf %add3A_10, %logistic3A_26 : vector<256x512xf32>
    %mul3A_27 = arith.mulf %mul3A, %add3A_21 : vector<256x512xf32>
    %convert_element_type3A_28 = arith.truncf %mul3A_27 : vector<256x512xf32> to vector<256x512xbf16>
    %get3A_29 = arith.constant 0 : index
    %get3A_30 = arith.constant 0 : index
    %get3A_31 = vector.load %arg10[%get3A_29, %get3A_30] : memref<512x768xf32, #tpu.memory_space<vmem>>, vector<512x768xf32>
    %convert_element_type3A_32 = arith.truncf %get3A_31 : vector<512x768xf32> to vector<512x768xbf16>
    %dot_general3A_33 = arith.constant dense<0.000000e+00> : vector<256x768xf32>
    %dot_general3A_34 = tpu.matmul %convert_element_type3A_28, %convert_element_type3A_32, %dot_general3A_33 {dimension_numbers = #tpu.dot_dimension_numbers<[1], [0], [0], [1], [0, 0, 1, 1], [], []>, transpose_lhs_hint = false} : vector<256x512xbf16>, vector<512x768xbf16>, vector<256x768xf32> -> vector<256x768xf32>
    %get3A_35 = arith.constant 0 : index
    %get3A_36 = arith.constant 0 : index
    %get3A_37 = vector.load %arg11[%get3A_35, %get3A_36] : memref<1x768xf32, #tpu.memory_space<vmem>>, vector<1x768xf32>
    %add3A_38 = vector.broadcast %get3A_37 : vector<1x768xf32> to vector<256x768xf32>
    %add3A_39 = arith.addf %dot_general3A_34, %add3A_38 : vector<256x768xf32>
    %get3A_40 = arith.constant 0 : index
    %get3A_41 = arith.constant 0 : index
    %get3A_42 = vector.load %arg4[%get3A_40, %get3A_41] : memref<256x1xf32, #tpu.memory_space<vmem>>, vector<256x1xf32>
    %get3A_43 = arith.constant 0 : index
    %get3A_44 = arith.constant 0 : index
    %get3A_45 = vector.load %arg2[%get3A_43, %get3A_44] : memref<256x768xf32, #tpu.memory_space<vmem>>, vector<256x768xf32>
    %mul3A_46 = vector.broadcast %get3A_42 : vector<256x1xf32> to vector<256x768xf32>
    %mul3A_47 = arith.mulf %mul3A_46, %get3A_45 : vector<256x768xf32>
    %add3A_48 = arith.addf %add3A_39, %mul3A_47 : vector<256x768xf32>
    %get3A_49 = arith.constant 0 : index
    %get3A_50 = arith.constant 0 : index
    %get3A_51 = vector.load %arg5[%get3A_49, %get3A_50] : memref<256x1xf32, #tpu.memory_space<vmem>>, vector<256x1xf32>
    %get3A_52 = arith.constant 0 : index
    %get3A_53 = arith.constant 0 : index
    %get3A_54 = vector.load %arg3[%get3A_52, %get3A_53] : memref<256x768xf32, #tpu.memory_space<vmem>>, vector<256x768xf32>
    %mul3A_55 = vector.broadcast %get3A_51 : vector<256x1xf32> to vector<256x768xf32>
    %mul3A_56 = arith.mulf %mul3A_55, %get3A_54 : vector<256x768xf32>
    %add3A_57 = arith.addf %add3A_48, %mul3A_56 : vector<256x768xf32>
    %swap3A = arith.constant 0 : index
    %swap3A_58 = arith.constant 0 : index
    %swap3A_59 = vector.load %arg12[%swap3A, %swap3A_58] : memref<256x768xf32, #tpu.memory_space<vmem>>, vector<256x768xf32>
    tpu.vector_store %arg12[%swap3A, %swap3A_58], %add3A_57 {strides = array<i32>} : memref<256x768xf32, #tpu.memory_space<vmem>>, vector<256x768xf32>,
    return
  }
  func.func @transform_0(%arg0: i32) -> (i32, i32) {
    %c0_i32 = arith.constant 0 : i32
    %c0_i32_0 = arith.constant 0 : i32
    return %arg0, %c0_i32 : i32, i32
  }
  func.func @transform_1(%arg0: i32) -> (i32, i32) {
    %c0_i32 = arith.constant 0 : i32
    %c0_i32_0 = arith.constant 0 : i32
    return %arg0, %c0_i32 : i32, i32
  }
  func.func @transform_2(%arg0: i32) -> (i32, i32) {
    %c0_i32 = arith.constant 0 : i32
    %c0_i32_0 = arith.constant 0 : i32
    return %arg0, %c0_i32 : i32, i32
  }
  func.func @transform_3(%arg0: i32) -> (i32, i32) {
    %c0_i32 = arith.constant 0 : i32
    %c0_i32_0 = arith.constant 0 : i32
    return %arg0, %c0_i32 : i32, i32
  }
  func.func @transform_4(%arg0: i32) -> (i32, i32) {
    %c0_i32 = arith.constant 0 : i32
    %c0_i32_0 = arith.constant 0 : i32
    return %arg0, %c0_i32 : i32, i32
  }
  func.func @transform_5(%arg0: i32) -> (i32, i32) {
    %c0_i32 = arith.constant 0 : i32
    %c0_i32_0 = arith.constant 0 : i32
    %c0_i32_1 = arith.constant 0 : i32
    return %c0_i32, %c0_i32_0 : i32, i32
  }
  func.func @transform_6(%arg0: i32) -> (i32, i32) {
    %c0_i32 = arith.constant 0 : i32
    %c0_i32_0 = arith.constant 0 : i32
    %c0_i32_1 = arith.constant 0 : i32
    return %c0_i32, %c0_i32_0 : i32, i32
  }
  func.func @transform_7(%arg0: i32) -> (i32, i32) {
    %c0_i32 = arith.constant 0 : i32
    %c0_i32_0 = arith.constant 0 : i32
    %c0_i32_1 = arith.constant 0 : i32
    return %c0_i32, %c0_i32_0 : i32, i32
  }
  func.func @transform_8(%arg0: i32) -> (i32, i32) {
    %c0_i32 = arith.constant 0 : i32
    %c0_i32_0 = arith.constant 0 : i32
    %c0_i32_1 = arith.constant 0 : i32
    return %c0_i32, %c0_i32_0 : i32, i32
  }
  func.func @transform_9(%arg0: i32) -> (i32, i32) {
    %c0_i32 = arith.constant 0 : i32
    %c0_i32_0 = arith.constant 0 : i32
    %c0_i32_1 = arith.constant 0 : i32
    return %c0_i32, %c0_i32_0 : i32, i32
  }
  func.func @transform_10(%arg0: i32) -> (i32, i32) {
    %c0_i32 = arith.constant 0 : i32
    %c0_i32_0 = arith.constant 0 : i32
    %c0_i32_1 = arith.constant 0 : i32
    return %c0_i32, %c0_i32_0 : i32, i32
  }
  func.func @transform_11(%arg0: i32) -> (i32, i32) {
    %c0_i32 = arith.constant 0 : i32
    %c0_i32_0 = arith.constant 0 : i32
    return %arg0, %c0_i32 : i32, i32
  }
}

module attributes {stable_mosaic.version = 14 : i64} {
  func.func @_router_body(%arg0: memref<2048x768xf32, #tpu.memory_space<vmem>>, %arg1: memref<768x64xf32, #tpu.memory_space<vmem>>, %arg2: memref<2048x1xi32, #tpu.memory_space<vmem>>, %arg3: memref<2048x1xi32, #tpu.memory_space<vmem>>, %arg4: memref<2048x1xf32, #tpu.memory_space<vmem>>, %arg5: memref<2048x1xf32, #tpu.memory_space<vmem>>, %arg6: memref<128x8xi32, #tpu.memory_space<vmem>>) attributes {dimension_semantics = [], scalar_prefetch = 0 : i64, scratch_operands = 0 : i64, tpu.core_type = #tpu.core_type<tc>} {
    %get3A = arith.constant 0 : index
    %get3A_0 = arith.constant 0 : index
    %get3A_1 = vector.load %arg0[%get3A, %get3A_0] : memref<2048x768xf32, #tpu.memory_space<vmem>>, vector<2048x768xf32>
    %get3A_2 = arith.constant 0 : index
    %get3A_3 = arith.constant 0 : index
    %get3A_4 = vector.load %arg1[%get3A_2, %get3A_3] : memref<768x64xf32, #tpu.memory_space<vmem>>, vector<768x64xf32>
    %dot_general3A = arith.constant dense<0.000000e+00> : vector<2048x64xf32>
    %dot_general3A_5 = tpu.matmul %get3A_1, %get3A_4, %dot_general3A {dimension_numbers = #tpu.dot_dimension_numbers<[1], [0], [0], [1], [0, 0, 1, 1], [], []>, transpose_lhs_hint = false} : vector<2048x768xf32>, vector<768x64xf32>, vector<2048x64xf32> -> vector<2048x64xf32>
    %iota3A = tpu.iota {dimensions = array<i32: 1>} : vector<2048x64xi32>
    %reduce_max3A = arith.constant dense<0xFF800000> : vector<2048xf32>
    %reduce_max3A_6 = vector.multi_reduction <maximumf>, %dot_general3A_5, %reduce_max3A [1] : vector<2048x64xf32> to vector<2048xf32>
    %broadcast_in_dim3A = vector.shape_cast %reduce_max3A_6 : vector<2048xf32> to vector<2048x1xf32>
    %eq3A = vector.broadcast %broadcast_in_dim3A : vector<2048x1xf32> to vector<2048x64xf32>
    %eq3A_7 = arith.cmpf oeq, %dot_general3A_5, %eq3A : vector<2048x64xf32>
    %jit3A = arith.constant 64 : i32
    %broadcast_in_dim3A_8 = vector.broadcast %jit3A : i32 to vector<2048x64xi32>
    %select_n3A = arith.select %eq3A_7, %iota3A, %broadcast_in_dim3A_8 : vector<2048x64xi1>, vector<2048x64xi32>
    %reduce_min3A = arith.constant dense<2147483647> : vector<2048xi32>
    %reduce_min3A_9 = vector.multi_reduction <minsi>, %select_n3A, %reduce_min3A [1] : vector<2048x64xi32> to vector<2048xi32>
    %broadcast_in_dim3A_10 = vector.shape_cast %reduce_min3A_9 : vector<2048xi32> to vector<2048x1xi32>
    %eq3A_11 = vector.broadcast %broadcast_in_dim3A_10 : vector<2048x1xi32> to vector<2048x64xi32>
    %eq3A_12 = arith.cmpi eq, %iota3A, %eq3A_11 : vector<2048x64xi32>
    %jit3A_13 = arith.constant 0xFF800000 : f32
    %broadcast_in_dim3A_14 = vector.broadcast %jit3A_13 : f32 to vector<2048x64xf32>
    %select_n3A_15 = arith.select %eq3A_12, %broadcast_in_dim3A_14, %dot_general3A_5 : vector<2048x64xi1>, vector<2048x64xf32>
    %reduce_max3A_16 = arith.constant dense<0xFF800000> : vector<2048xf32>
    %reduce_max3A_17 = vector.multi_reduction <maximumf>, %select_n3A_15, %reduce_max3A_16 [1] : vector<2048x64xf32> to vector<2048xf32>
    %broadcast_in_dim3A_18 = vector.shape_cast %reduce_max3A_17 : vector<2048xf32> to vector<2048x1xf32>
    %eq3A_19 = vector.broadcast %broadcast_in_dim3A_18 : vector<2048x1xf32> to vector<2048x64xf32>
    %eq3A_20 = arith.cmpf oeq, %select_n3A_15, %eq3A_19 : vector<2048x64xf32>
    %jit3A_21 = arith.constant 64 : i32
    %broadcast_in_dim3A_22 = vector.broadcast %jit3A_21 : i32 to vector<2048x64xi32>
    %select_n3A_23 = arith.select %eq3A_20, %iota3A, %broadcast_in_dim3A_22 : vector<2048x64xi1>, vector<2048x64xi32>
    %reduce_min3A_24 = arith.constant dense<2147483647> : vector<2048xi32>
    %reduce_min3A_25 = vector.multi_reduction <minsi>, %select_n3A_23, %reduce_min3A_24 [1] : vector<2048x64xi32> to vector<2048xi32>
    %broadcast_in_dim3A_26 = vector.shape_cast %reduce_min3A_25 : vector<2048xi32> to vector<2048x1xi32>
    %sub3A = arith.subf %broadcast_in_dim3A_18, %broadcast_in_dim3A : vector<2048x1xf32>
    %exp3A = math.exp %sub3A : vector<2048x1xf32>
    %add3A = arith.constant 1.000000e+00 : f32
    %add3A_27 = vector.broadcast %add3A : f32 to vector<2048x1xf32>
    %add3A_28 = arith.addf %add3A_27, %exp3A : vector<2048x1xf32>
    %div3A = arith.constant 1.000000e+00 : f32
    %div3A_29 = vector.broadcast %div3A : f32 to vector<2048x1xf32>
    %div3A_30 = arith.divf %div3A_29, %add3A_28 : vector<2048x1xf32>
    %swap3A = arith.constant 0 : index
    %swap3A_31 = arith.constant 0 : index
    %swap3A_32 = vector.load %arg4[%swap3A, %swap3A_31] : memref<2048x1xf32, #tpu.memory_space<vmem>>, vector<2048x1xf32>
    tpu.vector_store %arg4[%swap3A, %swap3A_31], %div3A_30 {strides = array<i32>} : memref<2048x1xf32, #tpu.memory_space<vmem>>, vector<2048x1xf32>,
    %add3A_33 = arith.constant 1.000000e+00 : f32
    %add3A_34 = vector.broadcast %add3A_33 : f32 to vector<2048x1xf32>
    %add3A_35 = arith.addf %add3A_34, %exp3A : vector<2048x1xf32>
    %div3A_36 = arith.divf %exp3A, %add3A_35 : vector<2048x1xf32>
    %swap3A_37 = arith.constant 0 : index
    %swap3A_38 = arith.constant 0 : index
    %swap3A_39 = vector.load %arg5[%swap3A_37, %swap3A_38] : memref<2048x1xf32, #tpu.memory_space<vmem>>, vector<2048x1xf32>
    tpu.vector_store %arg5[%swap3A_37, %swap3A_38], %div3A_36 {strides = array<i32>} : memref<2048x1xf32, #tpu.memory_space<vmem>>, vector<2048x1xf32>,
    %eq3A_40 = vector.broadcast %broadcast_in_dim3A_10 : vector<2048x1xi32> to vector<2048x64xi32>
    %eq3A_41 = arith.cmpi eq, %iota3A, %eq3A_40 : vector<2048x64xi32>
    %convert_element_type3A = arith.extui %eq3A_41 : vector<2048x64xi1> to vector<2048x64xi32>
    %convert_element_type3A_42 = arith.sitofp %convert_element_type3A : vector<2048x64xi32> to vector<2048x64xf32>
    %eq3A_43 = vector.broadcast %broadcast_in_dim3A_26 : vector<2048x1xi32> to vector<2048x64xi32>
    %eq3A_44 = arith.cmpi eq, %iota3A, %eq3A_43 : vector<2048x64xi32>
    %convert_element_type3A_45 = arith.extui %eq3A_44 : vector<2048x64xi1> to vector<2048x64xi32>
    %convert_element_type3A_46 = arith.sitofp %convert_element_type3A_45 : vector<2048x64xi32> to vector<2048x64xf32>
    %concatenate3A = tpu.concatenate %convert_element_type3A_42, %convert_element_type3A_46 in 0 : vector<2048x64xf32>, vector<2048x64xf32> -> vector<4096x64xf32>
    %iota3A_47 = tpu.iota {dimensions = array<i32: 0>} : vector<512x512xi32>
    %iota3A_48 = tpu.iota {dimensions = array<i32: 1>} : vector<512x512xi32>
    %lt3A = arith.cmpi slt, %iota3A_48, %iota3A_47 : vector<512x512xi32>
    %convert_element_type3A_49 = arith.extui %lt3A : vector<512x512xi1> to vector<512x512xi32>
    %convert_element_type3A_50 = arith.sitofp %convert_element_type3A_49 : vector<512x512xi32> to vector<512x512xf32>
    %broadcast_in_dim3A_51 = arith.constant 0.000000e+00 : f32
    %broadcast_in_dim3A_52 = vector.broadcast %broadcast_in_dim3A_51 : f32 to vector<1x64xf32>
    %slice3A = vector.extract_strided_slice %concatenate3A {offsets = [0, 0], sizes = [512, 64], strides = [1, 1]} : vector<4096x64xf32> to vector<512x64xf32>
    %dot_general3A_53 = arith.constant dense<0.000000e+00> : vector<512x64xf32>
    %dot_general3A_54 = tpu.matmul %convert_element_type3A_50, %slice3A, %dot_general3A_53 {dimension_numbers = #tpu.dot_dimension_numbers<[1], [0], [0], [1], [0, 0, 1, 1], [], []>, transpose_lhs_hint = false} : vector<512x512xf32>, vector<512x64xf32>, vector<512x64xf32> -> vector<512x64xf32>
    %add3A_55 = vector.broadcast %broadcast_in_dim3A_52 : vector<1x64xf32> to vector<512x64xf32>
    %add3A_56 = arith.addf %dot_general3A_54, %add3A_55 : vector<512x64xf32>
    %reduce_sum3A = arith.constant dense<0.000000e+00> : vector<64xf32>
    %reduce_sum3A_57 = vector.multi_reduction <add>, %slice3A, %reduce_sum3A [0] : vector<512x64xf32> to vector<64xf32>
    %broadcast_in_dim3A_58 = vector.shape_cast %reduce_sum3A_57 : vector<64xf32> to vector<1x64xf32>
    %add3A_59 = arith.addf %broadcast_in_dim3A_52, %broadcast_in_dim3A_58 : vector<1x64xf32>
    %slice3A_60 = vector.extract_strided_slice %concatenate3A {offsets = [512, 0], sizes = [512, 64], strides = [1, 1]} : vector<4096x64xf32> to vector<512x64xf32>
    %dot_general3A_61 = arith.constant dense<0.000000e+00> : vector<512x64xf32>
    %dot_general3A_62 = tpu.matmul %convert_element_type3A_50, %slice3A_60, %dot_general3A_61 {dimension_numbers = #tpu.dot_dimension_numbers<[1], [0], [0], [1], [0, 0, 1, 1], [], []>, transpose_lhs_hint = false} : vector<512x512xf32>, vector<512x64xf32>, vector<512x64xf32> -> vector<512x64xf32>
    %add3A_63 = vector.broadcast %add3A_59 : vector<1x64xf32> to vector<512x64xf32>
    %add3A_64 = arith.addf %dot_general3A_62, %add3A_63 : vector<512x64xf32>
    %reduce_sum3A_65 = arith.constant dense<0.000000e+00> : vector<64xf32>
    %reduce_sum3A_66 = vector.multi_reduction <add>, %slice3A_60, %reduce_sum3A_65 [0] : vector<512x64xf32> to vector<64xf32>
    %broadcast_in_dim3A_67 = vector.shape_cast %reduce_sum3A_66 : vector<64xf32> to vector<1x64xf32>
    %add3A_68 = arith.addf %add3A_59, %broadcast_in_dim3A_67 : vector<1x64xf32>
    %slice3A_69 = vector.extract_strided_slice %concatenate3A {offsets = [1024, 0], sizes = [512, 64], strides = [1, 1]} : vector<4096x64xf32> to vector<512x64xf32>
    %dot_general3A_70 = arith.constant dense<0.000000e+00> : vector<512x64xf32>
    %dot_general3A_71 = tpu.matmul %convert_element_type3A_50, %slice3A_69, %dot_general3A_70 {dimension_numbers = #tpu.dot_dimension_numbers<[1], [0], [0], [1], [0, 0, 1, 1], [], []>, transpose_lhs_hint = false} : vector<512x512xf32>, vector<512x64xf32>, vector<512x64xf32> -> vector<512x64xf32>
    %add3A_72 = vector.broadcast %add3A_68 : vector<1x64xf32> to vector<512x64xf32>
    %add3A_73 = arith.addf %dot_general3A_71, %add3A_72 : vector<512x64xf32>
    %reduce_sum3A_74 = arith.constant dense<0.000000e+00> : vector<64xf32>
    %reduce_sum3A_75 = vector.multi_reduction <add>, %slice3A_69, %reduce_sum3A_74 [0] : vector<512x64xf32> to vector<64xf32>
    %broadcast_in_dim3A_76 = vector.shape_cast %reduce_sum3A_75 : vector<64xf32> to vector<1x64xf32>
    %add3A_77 = arith.addf %add3A_68, %broadcast_in_dim3A_76 : vector<1x64xf32>
    %slice3A_78 = vector.extract_strided_slice %concatenate3A {offsets = [1536, 0], sizes = [512, 64], strides = [1, 1]} : vector<4096x64xf32> to vector<512x64xf32>
    %dot_general3A_79 = arith.constant dense<0.000000e+00> : vector<512x64xf32>
    %dot_general3A_80 = tpu.matmul %convert_element_type3A_50, %slice3A_78, %dot_general3A_79 {dimension_numbers = #tpu.dot_dimension_numbers<[1], [0], [0], [1], [0, 0, 1, 1], [], []>, transpose_lhs_hint = false} : vector<512x512xf32>, vector<512x64xf32>, vector<512x64xf32> -> vector<512x64xf32>
    %add3A_81 = vector.broadcast %add3A_77 : vector<1x64xf32> to vector<512x64xf32>
    %add3A_82 = arith.addf %dot_general3A_80, %add3A_81 : vector<512x64xf32>
    %reduce_sum3A_83 = arith.constant dense<0.000000e+00> : vector<64xf32>
    %reduce_sum3A_84 = vector.multi_reduction <add>, %slice3A_78, %reduce_sum3A_83 [0] : vector<512x64xf32> to vector<64xf32>
    %broadcast_in_dim3A_85 = vector.shape_cast %reduce_sum3A_84 : vector<64xf32> to vector<1x64xf32>
    %add3A_86 = arith.addf %add3A_77, %broadcast_in_dim3A_85 : vector<1x64xf32>
    %slice3A_87 = vector.extract_strided_slice %concatenate3A {offsets = [2048, 0], sizes = [512, 64], strides = [1, 1]} : vector<4096x64xf32> to vector<512x64xf32>
    %dot_general3A_88 = arith.constant dense<0.000000e+00> : vector<512x64xf32>
    %dot_general3A_89 = tpu.matmul %convert_element_type3A_50, %slice3A_87, %dot_general3A_88 {dimension_numbers = #tpu.dot_dimension_numbers<[1], [0], [0], [1], [0, 0, 1, 1], [], []>, transpose_lhs_hint = false} : vector<512x512xf32>, vector<512x64xf32>, vector<512x64xf32> -> vector<512x64xf32>
    %add3A_90 = vector.broadcast %add3A_86 : vector<1x64xf32> to vector<512x64xf32>
    %add3A_91 = arith.addf %dot_general3A_89, %add3A_90 : vector<512x64xf32>
    %reduce_sum3A_92 = arith.constant dense<0.000000e+00> : vector<64xf32>
    %reduce_sum3A_93 = vector.multi_reduction <add>, %slice3A_87, %reduce_sum3A_92 [0] : vector<512x64xf32> to vector<64xf32>
    %broadcast_in_dim3A_94 = vector.shape_cast %reduce_sum3A_93 : vector<64xf32> to vector<1x64xf32>
    %add3A_95 = arith.addf %add3A_86, %broadcast_in_dim3A_94 : vector<1x64xf32>
    %slice3A_96 = vector.extract_strided_slice %concatenate3A {offsets = [2560, 0], sizes = [512, 64], strides = [1, 1]} : vector<4096x64xf32> to vector<512x64xf32>
    %dot_general3A_97 = arith.constant dense<0.000000e+00> : vector<512x64xf32>
    %dot_general3A_98 = tpu.matmul %convert_element_type3A_50, %slice3A_96, %dot_general3A_97 {dimension_numbers = #tpu.dot_dimension_numbers<[1], [0], [0], [1], [0, 0, 1, 1], [], []>, transpose_lhs_hint = false} : vector<512x512xf32>, vector<512x64xf32>, vector<512x64xf32> -> vector<512x64xf32>
    %add3A_99 = vector.broadcast %add3A_95 : vector<1x64xf32> to vector<512x64xf32>
    %add3A_100 = arith.addf %dot_general3A_98, %add3A_99 : vector<512x64xf32>
    %reduce_sum3A_101 = arith.constant dense<0.000000e+00> : vector<64xf32>
    %reduce_sum3A_102 = vector.multi_reduction <add>, %slice3A_96, %reduce_sum3A_101 [0] : vector<512x64xf32> to vector<64xf32>
    %broadcast_in_dim3A_103 = vector.shape_cast %reduce_sum3A_102 : vector<64xf32> to vector<1x64xf32>
    %add3A_104 = arith.addf %add3A_95, %broadcast_in_dim3A_103 : vector<1x64xf32>
    %slice3A_105 = vector.extract_strided_slice %concatenate3A {offsets = [3072, 0], sizes = [512, 64], strides = [1, 1]} : vector<4096x64xf32> to vector<512x64xf32>
    %dot_general3A_106 = arith.constant dense<0.000000e+00> : vector<512x64xf32>
    %dot_general3A_107 = tpu.matmul %convert_element_type3A_50, %slice3A_105, %dot_general3A_106 {dimension_numbers = #tpu.dot_dimension_numbers<[1], [0], [0], [1], [0, 0, 1, 1], [], []>, transpose_lhs_hint = false} : vector<512x512xf32>, vector<512x64xf32>, vector<512x64xf32> -> vector<512x64xf32>
    %add3A_108 = vector.broadcast %add3A_104 : vector<1x64xf32> to vector<512x64xf32>
    %add3A_109 = arith.addf %dot_general3A_107, %add3A_108 : vector<512x64xf32>
    %reduce_sum3A_110 = arith.constant dense<0.000000e+00> : vector<64xf32>
    %reduce_sum3A_111 = vector.multi_reduction <add>, %slice3A_105, %reduce_sum3A_110 [0] : vector<512x64xf32> to vector<64xf32>
    %broadcast_in_dim3A_112 = vector.shape_cast %reduce_sum3A_111 : vector<64xf32> to vector<1x64xf32>
    %add3A_113 = arith.addf %add3A_104, %broadcast_in_dim3A_112 : vector<1x64xf32>
    %slice3A_114 = vector.extract_strided_slice %concatenate3A {offsets = [3584, 0], sizes = [512, 64], strides = [1, 1]} : vector<4096x64xf32> to vector<512x64xf32>
    %dot_general3A_115 = arith.constant dense<0.000000e+00> : vector<512x64xf32>
    %dot_general3A_116 = tpu.matmul %convert_element_type3A_50, %slice3A_114, %dot_general3A_115 {dimension_numbers = #tpu.dot_dimension_numbers<[1], [0], [0], [1], [0, 0, 1, 1], [], []>, transpose_lhs_hint = false} : vector<512x512xf32>, vector<512x64xf32>, vector<512x64xf32> -> vector<512x64xf32>
    %add3A_117 = vector.broadcast %add3A_113 : vector<1x64xf32> to vector<512x64xf32>
    %add3A_118 = arith.addf %dot_general3A_116, %add3A_117 : vector<512x64xf32>
    %reduce_sum3A_119 = arith.constant dense<0.000000e+00> : vector<64xf32>
    %reduce_sum3A_120 = vector.multi_reduction <add>, %slice3A_114, %reduce_sum3A_119 [0] : vector<512x64xf32> to vector<64xf32>
    %broadcast_in_dim3A_121 = vector.shape_cast %reduce_sum3A_120 : vector<64xf32> to vector<1x64xf32>
    %add3A_122 = arith.addf %add3A_113, %broadcast_in_dim3A_121 : vector<1x64xf32>
    %concatenate3A_123 = tpu.concatenate %add3A_56, %add3A_64, %add3A_73, %add3A_82, %add3A_91, %add3A_100, %add3A_109, %add3A_118 in 0 : vector<512x64xf32>, vector<512x64xf32>, vector<512x64xf32>, vector<512x64xf32>, vector<512x64xf32>, vector<512x64xf32>, vector<512x64xf32>, vector<512x64xf32> -> vector<4096x64xf32>
    %iota3A_124 = tpu.iota {dimensions = array<i32: 0>} : vector<64x64xi32>
    %iota3A_125 = tpu.iota {dimensions = array<i32: 1>} : vector<64x64xi32>
    %lt3A_126 = arith.cmpi slt, %iota3A_124, %iota3A_125 : vector<64x64xi32>
    %convert_element_type3A_127 = arith.extui %lt3A_126 : vector<64x64xi1> to vector<64x64xi32>
    %convert_element_type3A_128 = arith.sitofp %convert_element_type3A_127 : vector<64x64xi32> to vector<64x64xf32>
    %dot_general3A_129 = arith.constant dense<0.000000e+00> : vector<1x64xf32>
    %dot_general3A_130 = tpu.matmul %add3A_122, %convert_element_type3A_128, %dot_general3A_129 {dimension_numbers = #tpu.dot_dimension_numbers<[1], [0], [0], [1], [0, 0, 1, 1], [], []>, transpose_lhs_hint = false} : vector<1x64xf32>, vector<64x64xf32>, vector<1x64xf32> -> vector<1x64xf32>
    %mul3A = arith.mulf %concatenate3A_123, %concatenate3A : vector<4096x64xf32>
    %reduce_sum3A_131 = arith.constant dense<0.000000e+00> : vector<4096xf32>
    %reduce_sum3A_132 = vector.multi_reduction <add>, %mul3A, %reduce_sum3A_131 [1] : vector<4096x64xf32> to vector<4096xf32>
    %broadcast_in_dim3A_133 = vector.shape_cast %reduce_sum3A_132 : vector<4096xf32> to vector<4096x1xf32>
    %mul3A_134 = vector.broadcast %dot_general3A_130 : vector<1x64xf32> to vector<4096x64xf32>
    %mul3A_135 = arith.mulf %concatenate3A, %mul3A_134 : vector<4096x64xf32>
    %reduce_sum3A_136 = arith.constant dense<0.000000e+00> : vector<4096xf32>
    %reduce_sum3A_137 = vector.multi_reduction <add>, %mul3A_135, %reduce_sum3A_136 [1] : vector<4096x64xf32> to vector<4096xf32>
    %broadcast_in_dim3A_138 = vector.shape_cast %reduce_sum3A_137 : vector<4096xf32> to vector<4096x1xf32>
    %add3A_139 = arith.addf %broadcast_in_dim3A_133, %broadcast_in_dim3A_138 : vector<4096x1xf32>
    %convert_element_type3A_140 = arith.fptosi %add3A_139 : vector<4096x1xf32> to vector<4096x1xi32>
    %slice3A_141 = vector.extract_strided_slice %convert_element_type3A_140 {offsets = [0, 0], sizes = [2048, 1], strides = [1, 1]} : vector<4096x1xi32> to vector<2048x1xi32>
    %swap3A_142 = arith.constant 0 : index
    %swap3A_143 = arith.constant 0 : index
    %swap3A_144 = vector.load %arg2[%swap3A_142, %swap3A_143] : memref<2048x1xi32, #tpu.memory_space<vmem>>, vector<2048x1xi32>
    tpu.vector_store %arg2[%swap3A_142, %swap3A_143], %slice3A_141 {strides = array<i32>} : memref<2048x1xi32, #tpu.memory_space<vmem>>, vector<2048x1xi32>,
    %slice3A_145 = vector.extract_strided_slice %convert_element_type3A_140 {offsets = [2048, 0], sizes = [2048, 1], strides = [1, 1]} : vector<4096x1xi32> to vector<2048x1xi32>
    %swap3A_146 = arith.constant 0 : index
    %swap3A_147 = arith.constant 0 : index
    %swap3A_148 = vector.load %arg3[%swap3A_146, %swap3A_147] : memref<2048x1xi32, #tpu.memory_space<vmem>>, vector<2048x1xi32>
    tpu.vector_store %arg3[%swap3A_146, %swap3A_147], %slice3A_145 {strides = array<i32>} : memref<2048x1xi32, #tpu.memory_space<vmem>>, vector<2048x1xi32>,
    %convert_element_type3A_149 = arith.fptosi %add3A_122 : vector<1x64xf32> to vector<1x64xi32>
    %convert_element_type3A_150 = arith.fptosi %dot_general3A_130 : vector<1x64xf32> to vector<1x64xi32>
    %jit3A_151 = arith.constant 256 : i32
    %div3A_152 = vector.broadcast %jit3A_151 : i32 to vector<1x64xi32>
    %div3A_153 = arith.divsi %convert_element_type3A_150, %div3A_152 : vector<1x64xi32>
    %sign3A = arith.constant 0 : i32
    %sign3A_154 = vector.broadcast %sign3A : i32 to vector<1x64xi32>
    %sign3A_155 = arith.cmpi sgt, %convert_element_type3A_150, %sign3A_154 : vector<1x64xi32>
    %sign3A_156 = arith.extui %sign3A_155 : vector<1x64xi1> to vector<1x64xi32>
    %sign3A_157 = arith.constant 0 : i32
    %sign3A_158 = vector.broadcast %sign3A_157 : i32 to vector<1x64xi32>
    %sign3A_159 = arith.cmpi slt, %convert_element_type3A_150, %sign3A_158 : vector<1x64xi32>
    %sign3A_160 = arith.extui %sign3A_159 : vector<1x64xi1> to vector<1x64xi32>
    %sign3A_161 = arith.subi %sign3A_156, %sign3A_160 : vector<1x64xi32>
    %sign3A_162 = arith.constant 0 : i32
    %sign3A_163 = arith.cmpi sgt, %jit3A_151, %sign3A_162 : i32
    %sign3A_164 = arith.extui %sign3A_163 : i1 to i32
    %sign3A_165 = arith.constant 0 : i32
    %sign3A_166 = arith.cmpi slt, %jit3A_151, %sign3A_165 : i32
    %sign3A_167 = arith.extui %sign3A_166 : i1 to i32
    %sign3A_168 = arith.subi %sign3A_164, %sign3A_167 : i32
    %ne3A = vector.broadcast %sign3A_168 : i32 to vector<1x64xi32>
    %ne3A_169 = arith.cmpi ne, %sign3A_161, %ne3A : vector<1x64xi32>
    %rem3A = vector.broadcast %jit3A_151 : i32 to vector<1x64xi32>
    %rem3A_170 = arith.remsi %convert_element_type3A_150, %rem3A : vector<1x64xi32>
    %ne3A_171 = arith.constant 0 : i32
    %ne3A_172 = vector.broadcast %ne3A_171 : i32 to vector<1x64xi32>
    %ne3A_173 = arith.cmpi ne, %rem3A_170, %ne3A_172 : vector<1x64xi32>
    %and3A = arith.andi %ne3A_169, %ne3A_173 : vector<1x64xi1>
    %sub3A_174 = arith.constant 1 : i32
    %sub3A_175 = vector.broadcast %sub3A_174 : i32 to vector<1x64xi32>
    %sub3A_176 = arith.subi %div3A_153, %sub3A_175 : vector<1x64xi32>
    %select_n3A_177 = arith.select %and3A, %sub3A_176, %div3A_153 : vector<1x64xi1>, vector<1x64xi32>
    %add3A_178 = arith.addi %convert_element_type3A_150, %convert_element_type3A_149 : vector<1x64xi32>
    %sub3A_179 = arith.constant 1 : i32
    %sub3A_180 = vector.broadcast %sub3A_179 : i32 to vector<1x64xi32>
    %sub3A_181 = arith.subi %add3A_178, %sub3A_180 : vector<1x64xi32>
    %jit3A_182 = arith.constant 256 : i32
    %div3A_183 = vector.broadcast %jit3A_182 : i32 to vector<1x64xi32>
    %div3A_184 = arith.divsi %sub3A_181, %div3A_183 : vector<1x64xi32>
    %sign3A_185 = arith.constant 0 : i32
    %sign3A_186 = vector.broadcast %sign3A_185 : i32 to vector<1x64xi32>
    %sign3A_187 = arith.cmpi sgt, %sub3A_181, %sign3A_186 : vector<1x64xi32>
    %sign3A_188 = arith.extui %sign3A_187 : vector<1x64xi1> to vector<1x64xi32>
    %sign3A_189 = arith.constant 0 : i32
    %sign3A_190 = vector.broadcast %sign3A_189 : i32 to vector<1x64xi32>
    %sign3A_191 = arith.cmpi slt, %sub3A_181, %sign3A_190 : vector<1x64xi32>
    %sign3A_192 = arith.extui %sign3A_191 : vector<1x64xi1> to vector<1x64xi32>
    %sign3A_193 = arith.subi %sign3A_188, %sign3A_192 : vector<1x64xi32>
    %sign3A_194 = arith.constant 0 : i32
    %sign3A_195 = arith.cmpi sgt, %jit3A_182, %sign3A_194 : i32
    %sign3A_196 = arith.extui %sign3A_195 : i1 to i32
    %sign3A_197 = arith.constant 0 : i32
    %sign3A_198 = arith.cmpi slt, %jit3A_182, %sign3A_197 : i32
    %sign3A_199 = arith.extui %sign3A_198 : i1 to i32
    %sign3A_200 = arith.subi %sign3A_196, %sign3A_199 : i32
    %ne3A_201 = vector.broadcast %sign3A_200 : i32 to vector<1x64xi32>
    %ne3A_202 = arith.cmpi ne, %sign3A_193, %ne3A_201 : vector<1x64xi32>
    %rem3A_203 = vector.broadcast %jit3A_182 : i32 to vector<1x64xi32>
    %rem3A_204 = arith.remsi %sub3A_181, %rem3A_203 : vector<1x64xi32>
    %ne3A_205 = arith.constant 0 : i32
    %ne3A_206 = vector.broadcast %ne3A_205 : i32 to vector<1x64xi32>
    %ne3A_207 = arith.cmpi ne, %rem3A_204, %ne3A_206 : vector<1x64xi32>
    %and3A_208 = arith.andi %ne3A_202, %ne3A_207 : vector<1x64xi1>
    %sub3A_209 = arith.constant 1 : i32
    %sub3A_210 = vector.broadcast %sub3A_209 : i32 to vector<1x64xi32>
    %sub3A_211 = arith.subi %div3A_184, %sub3A_210 : vector<1x64xi32>
    %select_n3A_212 = arith.select %and3A_208, %sub3A_211, %div3A_184 : vector<1x64xi1>, vector<1x64xi32>
    %gt3A = arith.constant 0 : i32
    %gt3A_213 = vector.broadcast %gt3A : i32 to vector<1x64xi32>
    %gt3A_214 = arith.cmpi sgt, %convert_element_type3A_149, %gt3A_213 : vector<1x64xi32>
    %sub3A_215 = arith.subi %select_n3A_212, %select_n3A_177 : vector<1x64xi32>
    %add3A_216 = arith.constant 1 : i32
    %add3A_217 = vector.broadcast %add3A_216 : i32 to vector<1x64xi32>
    %add3A_218 = arith.addi %sub3A_215, %add3A_217 : vector<1x64xi32>
    %jit3A_219 = arith.constant 0 : i32
    %broadcast_in_dim3A_220 = vector.broadcast %jit3A_219 : i32 to vector<1x64xi32>
    %select_n3A_221 = arith.select %gt3A_214, %add3A_218, %broadcast_in_dim3A_220 : vector<1x64xi1>, vector<1x64xi32>
    %convert_element_type3A_222 = arith.sitofp %select_n3A_221 : vector<1x64xi32> to vector<1x64xf32>
    %dot_general3A_223 = arith.constant dense<0.000000e+00> : vector<1x64xf32>
    %dot_general3A_224 = tpu.matmul %convert_element_type3A_222, %convert_element_type3A_128, %dot_general3A_223 {dimension_numbers = #tpu.dot_dimension_numbers<[1], [0], [0], [1], [0, 0, 1, 1], [], []>, transpose_lhs_hint = false} : vector<1x64xf32>, vector<64x64xf32>, vector<1x64xf32> -> vector<1x64xf32>
    %convert_element_type3A_225 = arith.fptosi %dot_general3A_224 : vector<1x64xf32> to vector<1x64xi32>
    %iota3A_226 = tpu.iota {dimensions = array<i32: 0>} : vector<128x64xi32>
    %iota3A_227 = tpu.iota {dimensions = array<i32: 1>} : vector<128x64xi32>
    %ge3A = vector.broadcast %convert_element_type3A_225 : vector<1x64xi32> to vector<128x64xi32>
    %ge3A_228 = arith.cmpi sge, %iota3A_226, %ge3A : vector<128x64xi32>
    %add3A_229 = arith.addi %convert_element_type3A_225, %select_n3A_221 : vector<1x64xi32>
    %lt3A_230 = vector.broadcast %add3A_229 : vector<1x64xi32> to vector<128x64xi32>
    %lt3A_231 = arith.cmpi slt, %iota3A_226, %lt3A_230 : vector<128x64xi32>
    %and3A_232 = arith.andi %ge3A_228, %lt3A_231 : vector<128x64xi1>
    %convert_element_type3A_233 = arith.extui %and3A_232 : vector<128x64xi1> to vector<128x64xi32>
    %reduce_sum3A_234 = arith.constant dense<0> : vector<128xi32>
    %reduce_sum3A_235 = vector.multi_reduction <add>, %convert_element_type3A_233, %reduce_sum3A_234 [1] : vector<128x64xi32> to vector<128xi32>
    %broadcast_in_dim3A_236 = vector.shape_cast %reduce_sum3A_235 : vector<128xi32> to vector<128x1xi32>
    %jit3A_237 = arith.constant 0 : i32
    %broadcast_in_dim3A_238 = vector.broadcast %jit3A_237 : i32 to vector<128x64xi32>
    %select_n3A_239 = arith.select %and3A_232, %iota3A_227, %broadcast_in_dim3A_238 : vector<128x64xi1>, vector<128x64xi32>
    %reduce_sum3A_240 = arith.constant dense<0> : vector<128xi32>
    %reduce_sum3A_241 = vector.multi_reduction <add>, %select_n3A_239, %reduce_sum3A_240 [1] : vector<128x64xi32> to vector<128xi32>
    %broadcast_in_dim3A_242 = vector.shape_cast %reduce_sum3A_241 : vector<128xi32> to vector<128x1xi32>
    %sub3A_243 = vector.broadcast %convert_element_type3A_225 : vector<1x64xi32> to vector<128x64xi32>
    %sub3A_244 = arith.subi %iota3A_226, %sub3A_243 : vector<128x64xi32>
    %add3A_245 = vector.broadcast %select_n3A_177 : vector<1x64xi32> to vector<128x64xi32>
    %add3A_246 = arith.addi %add3A_245, %sub3A_244 : vector<128x64xi32>
    %jit3A_247 = arith.constant 0 : i32
    %broadcast_in_dim3A_248 = vector.broadcast %jit3A_247 : i32 to vector<128x64xi32>
    %select_n3A_249 = arith.select %and3A_232, %add3A_246, %broadcast_in_dim3A_248 : vector<128x64xi1>, vector<128x64xi32>
    %reduce_sum3A_250 = arith.constant dense<0> : vector<128xi32>
    %reduce_sum3A_251 = vector.multi_reduction <add>, %select_n3A_249, %reduce_sum3A_250 [1] : vector<128x64xi32> to vector<128xi32>
    %broadcast_in_dim3A_252 = vector.shape_cast %reduce_sum3A_251 : vector<128xi32> to vector<128x1xi32>
    %jit3A_253 = arith.constant 0 : i32
    %broadcast_in_dim3A_254 = vector.shape_cast %convert_element_type3A_150 : vector<1x64xi32> to vector<1x64xi32>
    %broadcast_in_dim3A_255 = vector.broadcast %broadcast_in_dim3A_254 : vector<1x64xi32> to vector<128x64xi32>
    %broadcast_in_dim3A_256 = vector.broadcast %jit3A_253 : i32 to vector<128x64xi32>
    %select_n3A_257 = arith.select %and3A_232, %broadcast_in_dim3A_255, %broadcast_in_dim3A_256 : vector<128x64xi1>, vector<128x64xi32>
    %reduce_sum3A_258 = arith.constant dense<0> : vector<128xi32>
    %reduce_sum3A_259 = vector.multi_reduction <add>, %select_n3A_257, %reduce_sum3A_258 [1] : vector<128x64xi32> to vector<128xi32>
    %broadcast_in_dim3A_260 = vector.shape_cast %reduce_sum3A_259 : vector<128xi32> to vector<128x1xi32>
    %add3A_261 = arith.addi %convert_element_type3A_150, %convert_element_type3A_149 : vector<1x64xi32>
    %jit3A_262 = arith.constant 0 : i32
    %broadcast_in_dim3A_263 = vector.shape_cast %add3A_261 : vector<1x64xi32> to vector<1x64xi32>
    %broadcast_in_dim3A_264 = vector.broadcast %broadcast_in_dim3A_263 : vector<1x64xi32> to vector<128x64xi32>
    %broadcast_in_dim3A_265 = vector.broadcast %jit3A_262 : i32 to vector<128x64xi32>
    %select_n3A_266 = arith.select %and3A_232, %broadcast_in_dim3A_264, %broadcast_in_dim3A_265 : vector<128x64xi1>, vector<128x64xi32>
    %reduce_sum3A_267 = arith.constant dense<0> : vector<128xi32>
    %reduce_sum3A_268 = vector.multi_reduction <add>, %select_n3A_266, %reduce_sum3A_267 [1] : vector<128x64xi32> to vector<128xi32>
    %broadcast_in_dim3A_269 = vector.shape_cast %reduce_sum3A_268 : vector<128xi32> to vector<128x1xi32>
    %iota3A_270 = tpu.iota {dimensions = array<i32: 1>} : vector<1x64xi32>
    %gt3A_271 = arith.constant 0 : i32
    %gt3A_272 = vector.broadcast %gt3A_271 : i32 to vector<1x64xi32>
    %gt3A_273 = arith.cmpi sgt, %convert_element_type3A_149, %gt3A_272 : vector<1x64xi32>
    %jit3A_274 = arith.constant -1 : i32
    %broadcast_in_dim3A_275 = vector.broadcast %jit3A_274 : i32 to vector<1x64xi32>
    %select_n3A_276 = arith.select %gt3A_273, %iota3A_270, %broadcast_in_dim3A_275 : vector<1x64xi1>, vector<1x64xi32>
    %reduce_max3A_277 = vector.shape_cast %select_n3A_276 : vector<1x64xi32> to vector<1x1x64xi32>
    %reduce_max3A_278 = arith.constant dense<-2147483648> : vector<1xi32>
    %reduce_max3A_279 = vector.multi_reduction <maxsi>, %reduce_max3A_277, %reduce_max3A_278 [1, 2] : vector<1x1x64xi32> to vector<1xi32>
    %reduce_max3A_280 = vector.shape_cast %reduce_max3A_279 : vector<1xi32> to vector<1x1x1xi32>
    %reduce_max3A_281 = vector.extract %reduce_max3A_280[0, 0, 0] : i32 from vector<1x1x1xi32>
    %gt3A_282 = arith.constant 0 : i32
    %gt3A_283 = vector.broadcast %gt3A_282 : i32 to vector<128x1xi32>
    %gt3A_284 = arith.cmpi sgt, %broadcast_in_dim3A_236, %gt3A_283 : vector<128x1xi32>
    %broadcast_in_dim3A_285 = vector.broadcast %reduce_max3A_281 : i32 to vector<128x1xi32>
    %select_n3A_286 = arith.select %gt3A_284, %broadcast_in_dim3A_242, %broadcast_in_dim3A_285 : vector<128x1xi1>, vector<128x1xi32>
    %gt3A_287 = arith.constant 0 : i32
    %gt3A_288 = vector.broadcast %gt3A_287 : i32 to vector<128x1xi32>
    %gt3A_289 = arith.cmpi sgt, %broadcast_in_dim3A_236, %gt3A_288 : vector<128x1xi32>
    %jit3A_290 = arith.constant 15 : i32
    %broadcast_in_dim3A_291 = vector.broadcast %jit3A_290 : i32 to vector<128x1xi32>
    %select_n3A_292 = arith.select %gt3A_289, %broadcast_in_dim3A_252, %broadcast_in_dim3A_291 : vector<128x1xi1>, vector<128x1xi32>
    %broadcast_in_dim3A_293 = arith.constant 0 : i32
    %broadcast_in_dim3A_294 = vector.broadcast %broadcast_in_dim3A_293 : i32 to vector<128x1xi32>
    %concatenate3A_295 = tpu.concatenate %select_n3A_286, %select_n3A_292, %broadcast_in_dim3A_236, %broadcast_in_dim3A_260, %broadcast_in_dim3A_269, %broadcast_in_dim3A_294, %broadcast_in_dim3A_294, %broadcast_in_dim3A_294 in 1 : vector<128x1xi32>, vector<128x1xi32>, vector<128x1xi32>, vector<128x1xi32>, vector<128x1xi32>, vector<128x1xi32>, vector<128x1xi32>, vector<128x1xi32> -> vector<128x8xi32>
    %swap3A_296 = arith.constant 0 : index
    %swap3A_297 = arith.constant 0 : index
    %swap3A_298 = vector.load %arg6[%swap3A_296, %swap3A_297] : memref<128x8xi32, #tpu.memory_space<vmem>>, vector<128x8xi32>
    tpu.vector_store %arg6[%swap3A_296, %swap3A_297], %concatenate3A_295 {strides = array<i32>} : memref<128x8xi32, #tpu.memory_space<vmem>>, vector<128x8xi32>,
    return
  }
}

</mosaic_0001>

<sc_bundles>
// kernel: kernel.10.cloned.1.call-start
scs
__scs_entry_jumppad:
0x0: {  	(pc) =	sbr.rel $0x88, $3  }
0x1: {  	(tag) =	ssettag $0x0;
	lr =	simm.s32 $0x1  }
0x2: {  	[smem:$0x3F96] =	sst lr;
	_ =	strace $0xD0000000  }
0x3: {  	_ = 	snop  }
0x4: {  	_ = 	snop  }
0x5: {  	_ = 	snop  }
0x6: {  	_ = 	snop  }
0x7: {  	_ = 	snop  }
__scs_overlays_trampoline_lowered:
0x8: {  	[smem:$0x3FA5] =	sst s0  }
0x9: {  	[smem:$0x3FA6] =	sst s1  }
0xa: {  	[smem:$0x3FA7] =	sst s2  }
0xb: {  	[smem:$0x3FA8] =	sst s3  }
0xc: {  	[smem:$0x3FA9] =	sst s4  }
0xd: {  	[smem:$0x3FAA] =	sst s5  }
0xe: {  	[smem:$0x3FAB] =	sst s6  }
0xf: {  	[smem:$0x3FAC] =	sst s7  }
0x10: {  	[smem:$0x3FAD] =	sst s8  }
0x11: {  	[smem:$0x3FAE] =	sst s9;
	s0 =	simm.s32 @!p0 $0x0  }
0x12: {  	s1 =	sld [smem:$0x3F94];
	s0 =	simm.s32 @p0 $0x1  }
0x13: {  	[smem:$0x3FAF] =	sst s0;
	s0 =	simm.s32 @!p1 $0x0  }
0x14: {  	s2 =	sld [smem:$0x3F93];
	s0 =	simm.s32 @p1 $0x1  }
0x15: {  	[smem:$0x3FB0] =	sst s0;
	s0 =	simm.s32 @!p2 $0x0  }
0x16: {  	s3 =	sld [smem:$0x3FDB];
	s0 =	simm.s32 @p2 $0x1  }
0x17: {  	s4 =	simm.s32 $0x1BF5;
	[smem:$0x3FB2] =	sst s0  }
0x18: {  	s0 =	sld [smem:$0x3F95];
	_ =	swait.ge [sflag:s4], $0x0  }
0x19: {  	s7 =	sld [smem:$0x3F96]  }
0x1a: {  	s8 =	sadd.s32 $0xFFFFE003, lr  }
0x1b: {  	s9 =	sadd.s32 $0xFFFFFEF7, lr;
	s5 =	simm.s32 $0xFFFFFFFF;
	p2 =	slt.u32 s8, $0xFFFFF086  }
0x1c: {  	p1 =	slt.u32 s9, $0xF7A;
	s5 =	simm.s32 @!p2 $0x0  }
0x1d: {  	s5 =	simm.s32 @p1 $0x1;
	p0 =	seq.s32 s7, s2  }
0x1e: {  	s7 =	smul.u32 @!p0 $0xF7A, s2;
	p2 =	seq.s32 @!p0 s5, $0x0  }
0x1f: {  	s9 =	smul.u32 $0xF7A, s1;
	s8 =	simm.s32 @!p0 $0x1BF5;
	p2 =	por !p2, p0  }
0x20: {  	[sflag:s8] =	ssyncset.s32 @!p0 $0xFFFFF086;
	s6 =	sadd.s32 @!p0 s3, s7;
	s7 =	simm.s32 @!p0 $0x108  }
0x21: {  	s3 =	sadd.s32 s3, s9;
	s6 =	sadd.s32 @!p0 $0x88, s6;
	s7 =	simm.s32 @p2 $0x1082  }
0x22: {  	[simem:s7], [sflag:s8] =	dma.local @!p0 [hbm:s6], $0xF7A  }
0x23: {  	s9 =	sor.u32 $0xD0000000, s2;
	s6 =	simm.s32 $0x108;
	_ =	swait.ge @!p0 [sflag:s8], $0x0  }
0x24: {  	s3 =	sadd.s32 $0x88, s3;
	s6 =	simm.s32 @!p1 $0x1082;
	[sflag:s4] =	ssyncset.s32 $0xFFFFF086  }
0x25: {  	[simem:s6], [sflag:s4] =	dma.local [hbm:s3], $0xF7A  }
0x26: {  	[smem:$0x3F96] =	sst s1;
	(tag) =	ssettag s2;
	_ =	strace s9  }
0x27: {  	s1 =	sld [smem:$0x3FA6]  }
0x28: {  	s2 =	sld [smem:$0x3FA7]  }
0x29: {  	s4 =	sld [smem:$0x3FA9]  }
0x2a: {  	p0 =	seq.s32 s5, $0x0;
	s5 =	sld [smem:$0x3FAA]  }
0x2b: {  	s6 =	sld [smem:$0x3FAB]  }
0x2c: {  	s7 =	sld [smem:$0x3FAC]  }
0x2d: {  	s3 =	simm.s32 $0x108;
	s8 =	sld [smem:$0x3FAD]  }
0x2e: {  	s3 =	simm.s32 @!p0 $0x1082;
	s9 =	sld [smem:$0x3FAE]  }
0x2f: {  	lr =	sadd.s32 s0, s3;
	s0 =	sld [smem:$0x3FA5]  }
0x30: {  	s3 =	sld [smem:$0x3FA8]  }
0x31: {  	[smem:$0x3FB1] =	sst s10  }
0x32: {  	s10 =	sld [smem:$0x3FAF];
	_ =	sdelay $0x3  }
0x33: {  	p0 =	seq.s32 s10, $0x1;
	s10 =	sld [smem:$0x3FB1];
	_ =	sdelay $0x3  }
0x34: {  	[smem:$0x3FB1] =	sst s10  }
0x35: {  	s10 =	sld [smem:$0x3FB0];
	_ =	sdelay $0x3  }
0x36: {  	p1 =	seq.s32 s10, $0x1;
	s10 =	sld [smem:$0x3FB1];
	_ =	sdelay $0x3  }
0x37: {  	[smem:$0x3FB1] =	sst s10  }
0x38: {  	s10 =	sld [smem:$0x3FB2]  }
0x39: {  	_ = 	snop;
	(pc) =	sbr.ind lr, $3  }
0x3a: {  	_ = 	snop  }
0x3b: {  	_ = 	snop  }
0x3c: {  	p2 =	seq.s32 s10, $0x1;
	s10 =	sld [smem:$0x3FB1]  }
0x3d: {  	_ =	shalt  }
0x3e: {  	_ =	shalt  }
0x3f: {  	_ =	shalt  }
0x40: {  	_ =	shalt  }
0x41: {  	_ =	shalt  }
0x42: {  	_ =	shalt  }
0x43: {  	_ =	shalt  }
0x44: {  	_ =	shalt  }
0x45: {  	_ =	shalt  }
0x46: {  	_ =	shalt  }
0x47: {  	_ =	shalt  }
0x48: {  	_ =	shalt  }
0x49: {  	_ =	shalt  }
0x4a: {  	_ =	shalt  }
0x4b: {  	_ =	shalt  }
0x4c: {  	_ =	shalt  }
0x4d: {  	_ =	shalt  }
0x4e: {  	_ =	shalt  }
0x4f: {  	_ =	shalt  }
0x50: {  	_ =	shalt  }
0x51: {  	_ =	shalt  }
0x52: {  	_ =	shalt  }
0x53: {  	_ =	shalt  }
0x54: {  	_ =	shalt  }
0x55: {  	_ =	shalt  }
0x56: {  	_ =	shalt  }
0x57: {  	_ =	shalt  }
0x58: {  	_ =	shalt  }
0x59: {  	_ =	shalt  }
0x5a: {  	_ =	shalt  }
0x5b: {  	_ =	shalt  }
0x5c: {  	_ =	shalt  }
0x5d: {  	_ =	shalt  }
0x5e: {  	_ =	shalt  }
0x5f: {  	_ =	shalt  }
0x60: {  	_ =	shalt  }
0x61: {  	_ =	shalt  }
0x62: {  	_ =	shalt  }
0x63: {  	_ =	shalt  }
0x64: {  	_ =	shalt  }
0x65: {  	_ =	shalt  }
0x66: {  	_ =	shalt  }
0x67: {  	_ =	shalt  }
0x68: {  	_ =	shalt  }
0x69: {  	_ =	shalt  }
0x6a: {  	_ =	shalt  }
0x6b: {  	_ =	shalt  }
0x6c: {  	_ =	shalt  }
0x6d: {  	_ =	shalt  }
0x6e: {  	_ =	shalt  }
0x6f: {  	_ =	shalt  }
0x70: {  	_ =	shalt  }
0x71: {  	_ =	shalt  }
0x72: {  	_ =	shalt  }
0x73: {  	_ =	shalt  }
0x74: {  	_ =	shalt  }
0x75: {  	_ =	shalt  }
0x76: {  	_ =	shalt  }
0x77: {  	_ =	shalt  }
0x78: {  	_ =	shalt  }
0x79: {  	_ =	shalt  }
0x7a: {  	_ =	shalt  }
0x7b: {  	_ =	shalt  }
0x7c: {  	_ =	shalt  }
0x7d: {  	_ =	shalt  }
0x7e: {  	_ =	shalt  }
0x7f: {  	_ =	shalt  }
0x80: {  	_ =	shalt  }
0x81: {  	_ =	shalt  }
0x82: {  	_ =	shalt  }
0x83: {  	_ =	shalt  }
0x84: {  	_ =	shalt  }
0x85: {  	_ =	shalt  }
0x86: {  	_ =	shalt  }
0x87: {  	_ =	shalt  }
.Lfunc_end0:
.L_simem_size_0:
called_computation.1_lowered:
.L_overlay_start_0:
0x88: {  	s2 =	sld [smem:$0x3FD9]  }
0x89: {  	s3 =	sld [smem:$0x3FFE];
	_ =	sdelay $0x1  }
0x8a: {  	s1 =	srdreg.scid  }
0x8b: {  	s0 =	sand.u32 $0x1, s1  }
0x8c: {  	s17 =	sshll.u32 s0, $0xA;
	s2 =	sadd.s32 s3, s2  }
0x8d: {  	s2 =	sadd.s32 s2, s17  }
0x8e: {  	[smem:$0x3FBD] =	sst s2  }
0x8f: {  	_ = 	snop  }
0x90: {  	s2 =	sld [smem:$0x3FD0];
	(tm) =	ssettm $0x1  }
0x91: {  	s18 =	sld [smem:$0x3FFB];
	_ =	sdelay $0x3  }
0x92: {  	_ =	strace s18  }
0x93: {  	s3 =	sld [smem:$0x3FFC];
	_ =	sdelay $0x3  }
0x94: {  	_ =	strace s3  }
0x95: {  	s3 =	sld [smem:$0x3FFD];
	_ =	sdelay $0x3  }
0x96: {  	_ =	strace s3  }
0x97: {  	_ =	strace $0x8FFFFFFF  }
0x98: {  	s19 =	sld [smem:$0x3FDB];
	_ =	sdelay $0x1  }
0x99: {  	s4 =	simm.s32 $_scs_section_size  }
0x9a: {  	s5 =	simm.s32 $_size__tile_overlayer_lowered;
	s6 =	simm.s32 $_tile_overlayer_lowered  }
0x9b: {  	s22 =	simm.s32 $0x1BFF;
	s21 =	sshll.u32 s6, $0x1;
	s3 =	sadd.s32 s4, s19  }
0x9c: {  	s7 =	simm.s32 $0x0;
	s20 =	sshll.u32 s5, $0x1;
	s5 =	sadd.s32 s21, s3  }
0x9d: {  	[timem:s7], [sflag:s22] =	dma.local [hbm:s5], s20  }
0x9e: {  	_ =	swait.ge [sflag:s22], s20  }
0x9f: {  	s4 =	ssub.s32 $0x0, s20;
	[sflag:s22] =	ssyncset.done $0x0  }
0xa0: {  	[sflag:s22] =	ssyncadd.s32 s4;
	_ =	sdelay $0x1  }
0xa1: {  	s23 =	simm.s32 $0x1B8B  }
0xa2: {  	_ =	swait.ge [sflag:s23], $0x1  }
0xa3: {  	[sflag:s23] =	ssyncset.done $0x0  }
0xa4: {  	s25 =	simm.s32 $0x1B8E;
	s24 =	sld [smem:$0x3FFE];
	[sflag:s23] =	ssyncadd.s32 $0xFFFFFFFF  }
0xa5: {  	s26 =	simm.s32 $execute0_lowered;
	[smem:$0x3FD2] =	sst s25  }
0xa6: {  	s5 =	sshll.u32 s26, $0x1;
	_ =	strace $0x80000049;
	[dreg:$0x1] =	wrdreg $0xFFFFFFFF  }
0xa7: {  	s28 =	simm.s32 $_size_execute0_lowered;
	s3 =	sadd.s32 s3, s5;
	[dreg:$0x0] =	wrdreg $0x0  }
0xa8: {  	s5 =	sshll.u32 s28, $0x1;
	[dreg:$0x2] =	wrdreg s3  }
0xa9: {  	[dreg:$0x3] =	wrdreg s5  }
0xaa: {  	[dreg:$0x4] =	wrdreg $0xC0  }
0xab: {  	_ =	task [dreg:s7], $0x5FFFF  }
0xac: {  	[dreg:$0x1] =	wrdreg $0xFFFFFFFF  }
0xad: {  	[dreg:$0x0] =	wrdreg $0x60  }
0xae: {  	[dreg:$0x2] =	wrdreg s24  }
0xaf: {  	[dreg:$0x3] =	wrdreg s2  }
0xb0: {  	[dreg:$0x4] =	wrdreg $0x9  }
0xb1: {  	_ =	task.clear_ibuf [dreg:s7], $0x5FFFF;
	_ =	strace $0x90000049  }
0xb2: {  	s29 =	simm.s32 $0x9;
	_ =	strace $0x8000004B  }
0xb3: {  	_ =	swait.ge [sflag:s29], $0x1  }
0xb4: {  	[sflag:s29] =	ssyncadd.s32 $0xFFFFFFFF  }
0xb5: {  	_ =	strace $0x9000004B  }
0xb6: {  	_ =	sfence  }
0xb7: {  	s30 =	sld [smem:$0x0];
	_ =	sdelay $0x2  }
0xb8: {  	s31 =	sshll.u32 s1, $0xD;
	s1 =	sshrl.u32 s1, $0x2  }
0xb9: {  	s3 =	sand.u32 $0x4000, s31;
	s1 =	sadd.s32 s1, s30  }
0xba: {  	s0 =	sor.u32 s3, s0;
	s1 =	sshll.u32 s1, $0x11  }
0xbb: {  	s0 =	sor.u32 s1, s0  }
0xbc: {  	s0 =	sadd.s32 $0x8F2B, s0  }
0xbd: {  	[sflag:s0] =	ssyncadd.remote.s32 $0x1  }
0xbe: {  	_ =	sfence.sel $0xFFFF  }
0xbf: {  	[dreg:$0x0] =	wrdreg $0xFFFFFFFF;
	(pc) =	sbr.abs _section_cstart, $3  }
0xc0: {  	[dreg:$0x1] =	wrdreg $0xFFFFFFFF  }
0xc1: {  	_ =	task.clear_ibuf [dreg:s7], $0x2FFFF;
	_ =	strace $0x9FFFFFFF  }
0xc2: {  	(tm) =	ssettm $0x7FFFFFFF  }
0xc3: {  	_ =	shalt  }
tec
execute0_lowered:
.L_overlay_start_1:
0x0: {  	(tag) =	ssettag $0x1  }
0x1: {  	s0 =	srdreg.scid;
	s1 =	rddreg [dreg:$0x0]  }
0x2: {  	s2 =	stileid.u32;
	s4 =	rddreg [dreg:$0x1];
	s10 =	simm.s32 $0x880  }
0x3: {  	s11 =	simm.s32 $0x1080;
	s12 =	simm.s32 $0x1880;
	s13 =	simm.s32 $0x2080  }
0x4: {  	s14 =	simm.s32 $0x2880;
	s15 =	simm.s32 $0x3080;
	s16 =	simm.s32 $0x3880  }
0x5: {  	s17 =	simm.s32 $0x4080;
	s18 =	simm.s32 $0x4880;
	s19 =	simm.s32 $0x5080  }
0x6: {  	s20 =	simm.s32 $0x5880;
	s21 =	simm.s32 $0x6080;
	s22 =	simm.s32 $0x6880  }
0x7: {  	s23 =	simm.s32 $0x7080;
	s28 =	simm.s32 $0x9080;
	s29 =	simm.s32 $0x9880  }
0x8: {  	s30 =	simm.s32 $0xA080;
	s31 =	simm.s32 $0xA880;
	s0 =	sand.u32 $0x1, s0  }
0x9: {  	s3 =	sshll.u32 s2, $0x4;
	s2 =	simm.s32 $0x0;
	s5 =	sshll.u32 s0, $0x3  }
0xa: {  	[smem:$0x7FF] =	sst s2;
	s0 =	ssub.s32 $0x2, s0;
	s3 =	sor.u32 s5, s3  }
0xb: {  	_ =	strace $0x8000004A;
	s24 =	sshrl.u32 s0, $0x1;
	s5 =	smul.u32 $0x300, s3  }
0xc: {  	s6 =	sadd.s32 s3, s1;
	s3 =	sadd.s32 $0x2200, s1;
	s0 =	ssub.s32 s0, s24  }
0xd: {  	s24 =	simm.s32 $0x7880;
	s8 =	sadd.s32 $0x1E00, s6;
	s25 =	sadd.s32 $0x2000, s6  }
0xe: {  	s6 =	smax.u32 s0, $0x1;
	s0 =	simm.s32 $0x1;
	[dreg:$0x3] =	wrdreg s8  }
0xf: {  	s7 =	sadd.s32 s5, s1;
	s4 =	sadd.s32 s4, s5;
	[dreg:$0x5] =	wrdreg s25  }
0x10: {  	v2 =	vlaneseq.u32;
	s5 =	sadd.s32 $0x2400, s1;
	s25 =	simm.s32 $0x8080;
	[dreg:$0x4] =	wrdreg s4  }
0x11: {  	vm0 =	vmmov $0xffff;
	v1 =	vshrl.u32 v2, $0x3;
	s26 =	sadd.s32 $0x62200, s7;
	s4 =	sadd.s32 $0x2300, s1;
	s7 =	simm.s32 $0x2  }
0x12: {  	v0 =	vand.u32 $0x7, v2;
	v2 =	vor.u32 $0x8, v2;
	v1 =	vmul.u32 $0x8, v1;
	s1 =	simm.s32 $0x80;
	[dreg:$0x6] =	wrdreg s26;
	s26 =	simm.s32 $0x8880  }
.LBB2_1:
0x13: {  	s9 =	rddreg [dreg:$0x3]  }
0x14: {  	[tilespmem:s2], [sflag:$0x2] =	stream.linear.gather [hbm4b:s9+s2], $0x40, $0x38;
	[tilespmem:$0xC080] =	vst v63  }
0x15: {  	_ =	swait.ge [sflag:s7], $0x40  }
0x16: {  	[sflag:s7] =	ssyncset.done $0x0  }
0x17: {  	[sflag:s7] =	ssyncadd.s32 $0xFFFFFFC0  }
0x18: {  	v3 =	vld [tilespmem:$0x0];
	_ =	sdelay $0x4  }
0x19: {  	v4 =	vshrl.u32 v3, $0x3  }
0x1a: {  	v4 =	vmul.u32 $0x30, v4  }
0x1b: {  	v3 =	vand.u32 $0x7, v3  }
0x1c: {  	v3 =	vor.u32 v3, v4  }
0x1d: {  	v4 =	vperm.xlane v3, v0;
	_ =	sdelay $0x1  }
0x1e: {  	v4 =	vadd.s32 v1, v4;
	_ =	sdelay $0x3  }
0x1f: {  	v3 =	vperm.xlane v3, v2  }
0x20: {  	[tilespmem:s1], [sflag:$0x1] =	stream.indirect_vreg.gather [hbm4b:s3+s2], $0x80, v4, vm0, $0xb8;
	[tilespmem:$0xC080] =	vst v63  }
0x21: {  	v3 =	vadd.s32 v1, v3  }
0x22: {  	[tilespmem:s10], [sflag:$0x1] =	stream.indirect_vreg.gather [hbm4b:s4+s2], $0x80, v4, vm0, $0xb8;
	[tilespmem:$0xC080] =	vst v63  }
0x23: {  	_ = 	snop  }
0x24: {  	[tilespmem:s11], [sflag:$0x1] =	stream.indirect_vreg.gather [hbm4b:s5+s2], $0x80, v4, vm0, $0xb8;
	[tilespmem:$0xC080] =	vst v63  }
0x25: {  	_ = 	snop  }
0x26: {  	[tilespmem:s12], [sflag:$0x1] =	stream.indirect_vreg.gather [hbm4b:s3+s2], $0x80, v3, vm0, $0xb8;
	[tilespmem:$0xC080] =	vst v63  }
0x27: {  	_ = 	snop  }
0x28: {  	[tilespmem:s13], [sflag:$0x1] =	stream.indirect_vreg.gather [hbm4b:s4+s2], $0x80, v3, vm0, $0xb8;
	[tilespmem:$0xC080] =	vst v63  }
0x29: {  	_ = 	snop  }
0x2a: {  	[tilespmem:s14], [sflag:$0x1] =	stream.indirect_vreg.gather [hbm4b:s5+s2], $0x80, v3, vm0, $0xb8;
	[tilespmem:$0xC080] =	vst v63  }
0x2b: {  	v3 =	vld [tilespmem:$0x10];
	_ =	sdelay $0x4  }
0x2c: {  	v57 =	vshrl.u32 v3, $0x3  }
0x2d: {  	v4 =	vmul.u32 $0x30, v57  }
0x2e: {  	v3 =	vand.u32 $0x7, v3  }
0x2f: {  	v3 =	vor.u32 v3, v4  }
0x30: {  	v4 =	vperm.xlane v3, v0;
	_ =	sdelay $0x1  }
0x31: {  	v4 =	vadd.s32 v1, v4;
	_ =	sdelay $0x3  }
0x32: {  	v3 =	vperm.xlane v3, v2  }
0x33: {  	[tilespmem:s15], [sflag:$0x1] =	stream.indirect_vreg.gather [hbm4b:s3+s2], $0x80, v4, vm0, $0xb8;
	[tilespmem:$0xC080] =	vst v63  }
0x34: {  	v3 =	vadd.s32 v1, v3  }
0x35: {  	[tilespmem:s16], [sflag:$0x1] =	stream.indirect_vreg.gather [hbm4b:s4+s2], $0x80, v4, vm0, $0xb8;
	[tilespmem:$0xC080] =	vst v63  }
0x36: {  	_ = 	snop  }
0x37: {  	[tilespmem:s17], [sflag:$0x1] =	stream.indirect_vreg.gather [hbm4b:s5+s2], $0x80, v4, vm0, $0xb8;
	[tilespmem:$0xC080] =	vst v63  }
0x38: {  	_ = 	snop  }
0x39: {  	[tilespmem:s18], [sflag:$0x1] =	stream.indirect_vreg.gather [hbm4b:s3+s2], $0x80, v3, vm0, $0xb8;
	[tilespmem:$0xC080] =	vst v63  }
0x3a: {  	_ = 	snop  }
0x3b: {  	[tilespmem:s19], [sflag:$0x1] =	stream.indirect_vreg.gather [hbm4b:s4+s2], $0x80, v3, vm0, $0xb8;
	[tilespmem:$0xC080] =	vst v63  }
0x3c: {  	_ = 	snop  }
0x3d: {  	[tilespmem:s20], [sflag:$0x1] =	stream.indirect_vreg.gather [hbm4b:s5+s2], $0x80, v3, vm0, $0xb8;
	[tilespmem:$0xC080] =	vst v63  }
0x3e: {  	v3 =	vld [tilespmem:$0x20];
	_ =	sdelay $0x4  }
0x3f: {  	v58 =	vshrl.u32 v3, $0x3  }
0x40: {  	v4 =	vmul.u32 $0x30, v58  }
0x41: {  	v3 =	vand.u32 $0x7, v3  }
0x42: {  	v3 =	vor.u32 v3, v4  }
0x43: {  	v4 =	vperm.xlane v3, v0;
	_ =	sdelay $0x1  }
0x44: {  	v4 =	vadd.s32 v1, v4;
	_ =	sdelay $0x3  }
0x45: {  	v3 =	vperm.xlane v3, v2  }
0x46: {  	[tilespmem:s21], [sflag:$0x1] =	stream.indirect_vreg.gather [hbm4b:s3+s2], $0x80, v4, vm0, $0xb8;
	[tilespmem:$0xC080] =	vst v63  }
0x47: {  	v3 =	vadd.s32 v1, v3  }
0x48: {  	[tilespmem:s22], [sflag:$0x1] =	stream.indirect_vreg.gather [hbm4b:s4+s2], $0x80, v4, vm0, $0xb8;
	[tilespmem:$0xC080] =	vst v63  }
0x49: {  	_ = 	snop  }
0x4a: {  	[tilespmem:s23], [sflag:$0x1] =	stream.indirect_vreg.gather [hbm4b:s5+s2], $0x80, v4, vm0, $0xb8;
	[tilespmem:$0xC080] =	vst v63  }
0x4b: {  	_ = 	snop  }
0x4c: {  	[tilespmem:s24], [sflag:$0x1] =	stream.indirect_vreg.gather [hbm4b:s3+s2], $0x80, v3, vm0, $0xb8;
	[tilespmem:$0xC080] =	vst v63  }
0x4d: {  	_ = 	snop  }
0x4e: {  	[tilespmem:s25], [sflag:$0x1] =	stream.indirect_vreg.gather [hbm4b:s4+s2], $0x80, v3, vm0, $0xb8;
	[tilespmem:$0xC080] =	vst v63  }
0x4f: {  	_ = 	snop  }
0x50: {  	[tilespmem:s26], [sflag:$0x1] =	stream.indirect_vreg.gather [hbm4b:s5+s2], $0x80, v3, vm0, $0xb8;
	[tilespmem:$0xC080] =	vst v63  }
0x51: {  	v3 =	vld [tilespmem:$0x30];
	_ =	sdelay $0x4  }
0x52: {  	v59 =	vshrl.u32 v3, $0x3  }
0x53: {  	v4 =	vmul.u32 $0x30, v59  }
0x54: {  	v3 =	vand.u32 $0x7, v3  }
0x55: {  	v3 =	vor.u32 v3, v4  }
0x56: {  	v4 =	vperm.xlane v3, v0;
	_ =	sdelay $0x1  }
0x57: {  	v4 =	vadd.s32 v1, v4;
	_ =	sdelay $0x3  }
0x58: {  	v3 =	vperm.xlane v3, v2  }
0x59: {  	[tilespmem:s28], [sflag:$0x1] =	stream.indirect_vreg.gather [hbm4b:s3+s2], $0x80, v4, vm0, $0xb8;
	[tilespmem:$0xC080] =	vst v63  }
0x5a: {  	v3 =	vadd.s32 v1, v3  }
0x5b: {  	[tilespmem:s29], [sflag:$0x1] =	stream.indirect_vreg.gather [hbm4b:s4+s2], $0x80, v4, vm0, $0xb8;
	[tilespmem:$0xC080] =	vst v63  }
0x5c: {  	_ = 	snop  }
0x5d: {  	[tilespmem:s30], [sflag:$0x1] =	stream.indirect_vreg.gather [hbm4b:s5+s2], $0x80, v4, vm0, $0xb8;
	[tilespmem:$0xC080] =	vst v63  }
0x5e: {  	_ = 	snop  }
0x5f: {  	[tilespmem:s31], [sflag:$0x1] =	stream.indirect_vreg.gather [hbm4b:s3+s2], $0x80, v3, vm0, $0xb8;
	[tilespmem:$0xC080] =	vst v63  }
0x60: {  	s8 =	simm.s32 $0xB080  }
0x61: {  	[tilespmem:s8], [sflag:$0x1] =	stream.indirect_vreg.gather [hbm4b:s4+s2], $0x80, v3, vm0, $0xb8;
	[tilespmem:$0xC080] =	vst v63  }
0x62: {  	s8 =	simm.s32 $0xB880  }
0x63: {  	[tilespmem:s8], [sflag:$0x1] =	stream.indirect_vreg.gather [hbm4b:s5+s2], $0x80, v3, vm0, $0xb8;
	[tilespmem:$0xC080] =	vst v63  }
0x64: {  	_ =	swait.ge [sflag:s0], $0xC000  }
0x65: {  	[sflag:s0] =	ssyncset.done $0x0  }
0x66: {  	s9 =	rddreg [dreg:$0x4];
	[sflag:s0] =	ssyncadd.s32 $0xFFFF4000  }
0x67: {  	[hbm4b:s9+s2] =	stream.linear.scatter [tilespmem:s1], [sflag:$0x2], $0xC000, $0x38;
	[tilespmem:$0xC080] =	vst v63  }
0x68: {  	_ =	swait.ge [sflag:s7], $0xC000  }
0x69: {  	[sflag:s7] =	ssyncset.done $0x0  }
0x6a: {  	s9 =	rddreg [dreg:$0x5];
	[sflag:s7] =	ssyncadd.s32 $0xFFFF4000  }
0x6b: {  	[tilespmem:s2], [sflag:$0x2] =	stream.linear.gather [hbm4b:s9+s2], $0x40, $0x38;
	[tilespmem:$0xC080] =	vst v63  }
0x6c: {  	_ =	swait.ge [sflag:s7], $0x40  }
0x6d: {  	[sflag:s7] =	ssyncset.done $0x0  }
0x6e: {  	[sflag:s7] =	ssyncadd.s32 $0xFFFFFFC0  }
0x6f: {  	v3 =	vld [tilespmem:$0x0];
	_ =	sdelay $0x4  }
0x70: {  	v60 =	vshrl.u32 v3, $0x3  }
0x71: {  	v4 =	vmul.u32 $0x30, v60  }
0x72: {  	v3 =	vand.u32 $0x7, v3  }
0x73: {  	v3 =	vor.u32 v3, v4  }
0x74: {  	v4 =	vperm.xlane v3, v0;
	_ =	sdelay $0x1  }
0x75: {  	v4 =	vadd.s32 v1, v4;
	_ =	sdelay $0x3  }
0x76: {  	v3 =	vperm.xlane v3, v2  }
0x77: {  	[tilespmem:s1], [sflag:$0x1] =	stream.indirect_vreg.gather [hbm4b:s3+s2], $0x80, v4, vm0, $0xb8;
	[tilespmem:$0xC080] =	vst v63  }
0x78: {  	v3 =	vadd.s32 v1, v3  }
0x79: {  	[tilespmem:s10], [sflag:$0x1] =	stream.indirect_vreg.gather [hbm4b:s4+s2], $0x80, v4, vm0, $0xb8;
	[tilespmem:$0xC080] =	vst v63  }
0x7a: {  	_ = 	snop  }
0x7b: {  	[tilespmem:s11], [sflag:$0x1] =	stream.indirect_vreg.gather [hbm4b:s5+s2], $0x80, v4, vm0, $0xb8;
	[tilespmem:$0xC080] =	vst v63  }
0x7c: {  	_ = 	snop  }
0x7d: {  	[tilespmem:s12], [sflag:$0x1] =	stream.indirect_vreg.gather [hbm4b:s3+s2], $0x80, v3, vm0, $0xb8;
	[tilespmem:$0xC080] =	vst v63  }
0x7e: {  	_ = 	snop  }
0x7f: {  	[tilespmem:s13], [sflag:$0x1] =	stream.indirect_vreg.gather [hbm4b:s4+s2], $0x80, v3, vm0, $0xb8;
	[tilespmem:$0xC080] =	vst v63  }
0x80: {  	_ = 	snop  }
0x81: {  	[tilespmem:s14], [sflag:$0x1] =	stream.indirect_vreg.gather [hbm4b:s5+s2], $0x80, v3, vm0, $0xb8;
	[tilespmem:$0xC080] =	vst v63  }
0x82: {  	v3 =	vld [tilespmem:$0x10];
	_ =	sdelay $0x4  }
0x83: {  	v61 =	vshrl.u32 v3, $0x3  }
0x84: {  	v4 =	vmul.u32 $0x30, v61  }
0x85: {  	v3 =	vand.u32 $0x7, v3  }
0x86: {  	v3 =	vor.u32 v3, v4  }
0x87: {  	v4 =	vperm.xlane v3, v0;
	_ =	sdelay $0x1  }
0x88: {  	v4 =	vadd.s32 v1, v4;
	_ =	sdelay $0x3  }
0x89: {  	v3 =	vperm.xlane v3, v2  }
0x8a: {  	[tilespmem:s15], [sflag:$0x1] =	stream.indirect_vreg.gather [hbm4b:s3+s2], $0x80, v4, vm0, $0xb8;
	[tilespmem:$0xC080] =	vst v63  }
0x8b: {  	v3 =	vadd.s32 v1, v3  }
0x8c: {  	[tilespmem:s16], [sflag:$0x1] =	stream.indirect_vreg.gather [hbm4b:s4+s2], $0x80, v4, vm0, $0xb8;
	[tilespmem:$0xC080] =	vst v63  }
0x8d: {  	_ = 	snop  }
0x8e: {  	[tilespmem:s17], [sflag:$0x1] =	stream.indirect_vreg.gather [hbm4b:s5+s2], $0x80, v4, vm0, $0xb8;
	[tilespmem:$0xC080] =	vst v63  }
0x8f: {  	_ = 	snop  }
0x90: {  	[tilespmem:s18], [sflag:$0x1] =	stream.indirect_vreg.gather [hbm4b:s3+s2], $0x80, v3, vm0, $0xb8;
	[tilespmem:$0xC080] =	vst v63  }
0x91: {  	_ = 	snop  }
0x92: {  	[tilespmem:s19], [sflag:$0x1] =	stream.indirect_vreg.gather [hbm4b:s4+s2], $0x80, v3, vm0, $0xb8;
	[tilespmem:$0xC080] =	vst v63  }
0x93: {  	_ = 	snop  }
0x94: {  	[tilespmem:s20], [sflag:$0x1] =	stream.indirect_vreg.gather [hbm4b:s5+s2], $0x80, v3, vm0, $0xb8;
	[tilespmem:$0xC080] =	vst v63  }
0x95: {  	v3 =	vld [tilespmem:$0x20];
	_ =	sdelay $0x4  }
0x96: {  	v62 =	vshrl.u32 v3, $0x3  }
0x97: {  	v4 =	vmul.u32 $0x30, v62  }
0x98: {  	v3 =	vand.u32 $0x7, v3  }
0x99: {  	v3 =	vor.u32 v3, v4  }
0x9a: {  	v4 =	vperm.xlane v3, v0;
	_ =	sdelay $0x1  }
0x9b: {  	v4 =	vadd.s32 v1, v4;
	_ =	sdelay $0x3  }
0x9c: {  	v3 =	vperm.xlane v3, v2  }
0x9d: {  	[tilespmem:s21], [sflag:$0x1] =	stream.indirect_vreg.gather [hbm4b:s3+s2], $0x80, v4, vm0, $0xb8;
	[tilespmem:$0xC080] =	vst v63  }
0x9e: {  	v3 =	vadd.s32 v1, v3  }
0x9f: {  	[tilespmem:s22], [sflag:$0x1] =	stream.indirect_vreg.gather [hbm4b:s4+s2], $0x80, v4, vm0, $0xb8;
	[tilespmem:$0xC080] =	vst v63  }
0xa0: {  	_ = 	snop  }
0xa1: {  	[tilespmem:s23], [sflag:$0x1] =	stream.indirect_vreg.gather [hbm4b:s5+s2], $0x80, v4, vm0, $0xb8;
	[tilespmem:$0xC080] =	vst v63  }
0xa2: {  	_ = 	snop  }
0xa3: {  	[tilespmem:s24], [sflag:$0x1] =	stream.indirect_vreg.gather [hbm4b:s3+s2], $0x80, v3, vm0, $0xb8;
	[tilespmem:$0xC080] =	vst v63  }
0xa4: {  	_ = 	snop  }
0xa5: {  	[tilespmem:s25], [sflag:$0x1] =	stream.indirect_vreg.gather [hbm4b:s4+s2], $0x80, v3, vm0, $0xb8;
	[tilespmem:$0xC080] =	vst v63  }
0xa6: {  	_ = 	snop  }
0xa7: {  	[tilespmem:s26], [sflag:$0x1] =	stream.indirect_vreg.gather [hbm4b:s5+s2], $0x80, v3, vm0, $0xb8;
	[tilespmem:$0xC080] =	vst v63  }
0xa8: {  	v3 =	vld [tilespmem:$0x30];
	_ =	sdelay $0x4  }
0xa9: {  	v63 =	vshrl.u32 v3, $0x3  }
0xaa: {  	v4 =	vmul.u32 $0x30, v63  }
0xab: {  	v3 =	vand.u32 $0x7, v3  }
0xac: {  	v3 =	vor.u32 v3, v4  }
0xad: {  	v4 =	vperm.xlane v3, v0;
	_ =	sdelay $0x1  }
0xae: {  	v4 =	vadd.s32 v1, v4;
	_ =	sdelay $0x3  }
0xaf: {  	v3 =	vperm.xlane v3, v2  }
0xb0: {  	[tilespmem:s28], [sflag:$0x1] =	stream.indirect_vreg.gather [hbm4b:s3+s2], $0x80, v4, vm0, $0xb8;
	[tilespmem:$0xC080] =	vst v63  }
0xb1: {  	v3 =	vadd.s32 v1, v3  }
0xb2: {  	[tilespmem:s29], [sflag:$0x1] =	stream.indirect_vreg.gather [hbm4b:s4+s2], $0x80, v4, vm0, $0xb8;
	[tilespmem:$0xC080] =	vst v63  }
0xb3: {  	_ = 	snop  }
0xb4: {  	[tilespmem:s30], [sflag:$0x1] =	stream.indirect_vreg.gather [hbm4b:s5+s2], $0x80, v4, vm0, $0xb8;
	[tilespmem:$0xC080] =	vst v63  }
0xb5: {  	_ = 	snop  }
0xb6: {  	[tilespmem:s31], [sflag:$0x1] =	stream.indirect_vreg.gather [hbm4b:s3+s2], $0x80, v3, vm0, $0xb8;
	[tilespmem:$0xC080] =	vst v63  }
0xb7: {  	s9 =	simm.s32 $0xB080  }
0xb8: {  	[tilespmem:s9], [sflag:$0x1] =	stream.indirect_vreg.gather [hbm4b:s4+s2], $0x80, v3, vm0, $0xb8;
	[tilespmem:$0xC080] =	vst v63  }
0xb9: {  	_ = 	snop  }
0xba: {  	[tilespmem:s8], [sflag:$0x1] =	stream.indirect_vreg.gather [hbm4b:s5+s2], $0x80, v3, vm0, $0xb8;
	[tilespmem:$0xC080] =	vst v63  }
0xbb: {  	_ =	swait.ge [sflag:s0], $0xC000  }
0xbc: {  	p0 =	sne.s32 s6, $0x1;
	[sflag:s0] =	ssyncset.done $0x0  }
.Ltmp0:
0xbd: {  	s8 =	rddreg [dreg:$0x6];
	[sflag:s0] =	ssyncadd.s32 $0xFFFF4000;
	(pc) =	sbr.rel @p0 .LBB2_1-.Ltmp0, $4  }
0xbe: {  	[hbm4b:s8+s2] =	stream.linear.scatter [tilespmem:s1], [sflag:$0x2], $0xC000, $0x38;
	[tilespmem:$0xC080] =	vst v63  }
0xbf: {  	_ =	swait.ge [sflag:s7], $0xC000  }
0xc0: {  	[sflag:s7] =	ssyncset.done $0x0  }
0xc1: {  	s6 =	sadd.s32 $0xFFFFFFFF, s6;
	[sflag:s7] =	ssyncadd.s32 $0xFFFF4000  }
0xc2: {  	_ =	sfence.sel $0x180000  }
0xc3: {  	[bflag:$0x0] =	sbarrier.arrive $0xFFFF  }
0xc4: {  	_ =	strace $0x9000004A  }
0xc5: {  	s0 =	stileid.u32;
	[bflag:$0x2] =	sbarrier.arrive $0xFFFF  }
0xc6: {  	p0 =	sne.s32 s0, $0x0;
	s0 =	rddreg [dreg:$0x2]  }
0xc7: {  	s0 =	sadd.s32 @!p0 $0x100000, s0  }
0xc8: {  	[sflag:s0] =	ssyncadd.tile.s32 @!p0 $0x1;
	_ =	shalt  }
.Lfunc_end2:
_tile_overlayer_lowered:
.L_overlay_start_2:
0xc9: {  	(tag) =	ssettag $0x2  }
0xca: {  	s0 =	rddreg [dreg:$0x0];
	s2 =	stileid.u32  }
0xcb: {  	s1 =	rddreg [dreg:$0x1];
	p0 =	sne.s32 s2, $0x0  }
0xcc: {  	s3 =	rddreg [dreg:$0x2];
	[bflag:$0x3] =	sbarrier.arrive $0xFFFF;
	s2 =	simm.s32 @!p0 $0x1C02  }
0xcd: {  	[timem:s3], [sflag:s2] =	dma.local @!p0 [hbm:s0], s1  }
0xce: {  	s0 =	simm.s32 @!p0 $0x2  }
0xcf: {  	_ =	swait.ge @!p0 [sflag:s0], s1  }
0xd0: {  	s1 =	ssub.s32 @!p0 $0x0, s1;
	[sflag:s0] =	ssyncset.done @!p0 $0x0  }
0xd1: {  	[sflag:s0] =	ssyncadd.s32 @!p0 s1  }
0xd2: {  	[bflag:$0x3] =	sbarrier.arrive $0xFFFF  }
0xd3: {  	_ =	shalt  }

// kernel: kernel.7.cloned.1.call-start
scs
__scs_entry_jumppad:
0x0: {  	(pc) =	sbr.rel $0x88, $3  }
0x1: {  	(tag) =	ssettag $0x0;
	lr =	simm.s32 $0x1  }
0x2: {  	[smem:$0x3F96] =	sst lr;
	_ =	strace $0xD0000000  }
0x3: {  	_ = 	snop  }
0x4: {  	_ = 	snop  }
0x5: {  	_ = 	snop  }
0x6: {  	_ = 	snop  }
0x7: {  	_ = 	snop  }
__scs_overlays_trampoline_lowered:
0x8: {  	[smem:$0x3FA5] =	sst s0  }
0x9: {  	[smem:$0x3FA6] =	sst s1  }
0xa: {  	[smem:$0x3FA7] =	sst s2  }
0xb: {  	[smem:$0x3FA8] =	sst s3  }
0xc: {  	[smem:$0x3FA9] =	sst s4  }
0xd: {  	[smem:$0x3FAA] =	sst s5  }
0xe: {  	[smem:$0x3FAB] =	sst s6  }
0xf: {  	[smem:$0x3FAC] =	sst s7  }
0x10: {  	[smem:$0x3FAD] =	sst s8  }
0x11: {  	[smem:$0x3FAE] =	sst s9;
	s0 =	simm.s32 @!p0 $0x0  }
0x12: {  	s1 =	sld [smem:$0x3F94];
	s0 =	simm.s32 @p0 $0x1  }
0x13: {  	[smem:$0x3FAF] =	sst s0;
	s0 =	simm.s32 @!p1 $0x0  }
0x14: {  	s2 =	sld [smem:$0x3F93];
	s0 =	simm.s32 @p1 $0x1  }
0x15: {  	[smem:$0x3FB0] =	sst s0;
	s0 =	simm.s32 @!p2 $0x0  }
0x16: {  	s3 =	sld [smem:$0x3FDB];
	s0 =	simm.s32 @p2 $0x1  }
0x17: {  	s4 =	simm.s32 $0x1BF5;
	[smem:$0x3FB2] =	sst s0  }
0x18: {  	s0 =	sld [smem:$0x3F95];
	_ =	swait.ge [sflag:s4], $0x0  }
0x19: {  	s7 =	sld [smem:$0x3F96]  }
0x1a: {  	s8 =	sadd.s32 $0xFFFFE003, lr  }
0x1b: {  	s9 =	sadd.s32 $0xFFFFFEF7, lr;
	s5 =	simm.s32 $0xFFFFFFFF;
	p2 =	slt.u32 s8, $0xFFFFF086  }
0x1c: {  	p1 =	slt.u32 s9, $0xF7A;
	s5 =	simm.s32 @!p2 $0x0  }
0x1d: {  	s5 =	simm.s32 @p1 $0x1;
	p0 =	seq.s32 s7, s2  }
0x1e: {  	s7 =	smul.u32 @!p0 $0xF7A, s2;
	p2 =	seq.s32 @!p0 s5, $0x0  }
0x1f: {  	s9 =	smul.u32 $0xF7A, s1;
	s8 =	simm.s32 @!p0 $0x1BF5;
	p2 =	por !p2, p0  }
0x20: {  	[sflag:s8] =	ssyncset.s32 @!p0 $0xFFFFF086;
	s6 =	sadd.s32 @!p0 s3, s7;
	s7 =	simm.s32 @!p0 $0x108  }
0x21: {  	s3 =	sadd.s32 s3, s9;
	s6 =	sadd.s32 @!p0 $0x88, s6;
	s7 =	simm.s32 @p2 $0x1082  }
0x22: {  	[simem:s7], [sflag:s8] =	dma.local @!p0 [hbm:s6], $0xF7A  }
0x23: {  	s9 =	sor.u32 $0xD0000000, s2;
	s6 =	simm.s32 $0x108;
	_ =	swait.ge @!p0 [sflag:s8], $0x0  }
0x24: {  	s3 =	sadd.s32 $0x88, s3;
	s6 =	simm.s32 @!p1 $0x1082;
	[sflag:s4] =	ssyncset.s32 $0xFFFFF086  }
0x25: {  	[simem:s6], [sflag:s4] =	dma.local [hbm:s3], $0xF7A  }
0x26: {  	[smem:$0x3F96] =	sst s1;
	(tag) =	ssettag s2;
	_ =	strace s9  }
0x27: {  	s1 =	sld [smem:$0x3FA6]  }
0x28: {  	s2 =	sld [smem:$0x3FA7]  }
0x29: {  	s4 =	sld [smem:$0x3FA9]  }
0x2a: {  	p0 =	seq.s32 s5, $0x0;
	s5 =	sld [smem:$0x3FAA]  }
0x2b: {  	s6 =	sld [smem:$0x3FAB]  }
0x2c: {  	s7 =	sld [smem:$0x3FAC]  }
0x2d: {  	s3 =	simm.s32 $0x108;
	s8 =	sld [smem:$0x3FAD]  }
0x2e: {  	s3 =	simm.s32 @!p0 $0x1082;
	s9 =	sld [smem:$0x3FAE]  }
0x2f: {  	lr =	sadd.s32 s0, s3;
	s0 =	sld [smem:$0x3FA5]  }
0x30: {  	s3 =	sld [smem:$0x3FA8]  }
0x31: {  	[smem:$0x3FB1] =	sst s10  }
0x32: {  	s10 =	sld [smem:$0x3FAF];
	_ =	sdelay $0x3  }
0x33: {  	p0 =	seq.s32 s10, $0x1;
	s10 =	sld [smem:$0x3FB1];
	_ =	sdelay $0x3  }
0x34: {  	[smem:$0x3FB1] =	sst s10  }
0x35: {  	s10 =	sld [smem:$0x3FB0];
	_ =	sdelay $0x3  }
0x36: {  	p1 =	seq.s32 s10, $0x1;
	s10 =	sld [smem:$0x3FB1];
	_ =	sdelay $0x3  }
0x37: {  	[smem:$0x3FB1] =	sst s10  }
0x38: {  	s10 =	sld [smem:$0x3FB2]  }
0x39: {  	_ = 	snop;
	(pc) =	sbr.ind lr, $3  }
0x3a: {  	_ = 	snop  }
0x3b: {  	_ = 	snop  }
0x3c: {  	p2 =	seq.s32 s10, $0x1;
	s10 =	sld [smem:$0x3FB1]  }
0x3d: {  	_ =	shalt  }
0x3e: {  	_ =	shalt  }
0x3f: {  	_ =	shalt  }
0x40: {  	_ =	shalt  }
0x41: {  	_ =	shalt  }
0x42: {  	_ =	shalt  }
0x43: {  	_ =	shalt  }
0x44: {  	_ =	shalt  }
0x45: {  	_ =	shalt  }
0x46: {  	_ =	shalt  }
0x47: {  	_ =	shalt  }
0x48: {  	_ =	shalt  }
0x49: {  	_ =	shalt  }
0x4a: {  	_ =	shalt  }
0x4b: {  	_ =	shalt  }
0x4c: {  	_ =	shalt  }
0x4d: {  	_ =	shalt  }
0x4e: {  	_ =	shalt  }
0x4f: {  	_ =	shalt  }
0x50: {  	_ =	shalt  }
0x51: {  	_ =	shalt  }
0x52: {  	_ =	shalt  }
0x53: {  	_ =	shalt  }
0x54: {  	_ =	shalt  }
0x55: {  	_ =	shalt  }
0x56: {  	_ =	shalt  }
0x57: {  	_ =	shalt  }
0x58: {  	_ =	shalt  }
0x59: {  	_ =	shalt  }
0x5a: {  	_ =	shalt  }
0x5b: {  	_ =	shalt  }
0x5c: {  	_ =	shalt  }
0x5d: {  	_ =	shalt  }
0x5e: {  	_ =	shalt  }
0x5f: {  	_ =	shalt  }
0x60: {  	_ =	shalt  }
0x61: {  	_ =	shalt  }
0x62: {  	_ =	shalt  }
0x63: {  	_ =	shalt  }
0x64: {  	_ =	shalt  }
0x65: {  	_ =	shalt  }
0x66: {  	_ =	shalt  }
0x67: {  	_ =	shalt  }
0x68: {  	_ =	shalt  }
0x69: {  	_ =	shalt  }
0x6a: {  	_ =	shalt  }
0x6b: {  	_ =	shalt  }
0x6c: {  	_ =	shalt  }
0x6d: {  	_ =	shalt  }
0x6e: {  	_ =	shalt  }
0x6f: {  	_ =	shalt  }
0x70: {  	_ =	shalt  }
0x71: {  	_ =	shalt  }
0x72: {  	_ =	shalt  }
0x73: {  	_ =	shalt  }
0x74: {  	_ =	shalt  }
0x75: {  	_ =	shalt  }
0x76: {  	_ =	shalt  }
0x77: {  	_ =	shalt  }
0x78: {  	_ =	shalt  }
0x79: {  	_ =	shalt  }
0x7a: {  	_ =	shalt  }
0x7b: {  	_ =	shalt  }
0x7c: {  	_ =	shalt  }
0x7d: {  	_ =	shalt  }
0x7e: {  	_ =	shalt  }
0x7f: {  	_ =	shalt  }
0x80: {  	_ =	shalt  }
0x81: {  	_ =	shalt  }
0x82: {  	_ =	shalt  }
0x83: {  	_ =	shalt  }
0x84: {  	_ =	shalt  }
0x85: {  	_ =	shalt  }
0x86: {  	_ =	shalt  }
0x87: {  	_ =	shalt  }
.Lfunc_end0:
.L_simem_size_0:
called_computation_lowered:
.L_overlay_start_0:
0x88: {  	s2 =	sld [smem:$0x3FD9]  }
0x89: {  	s3 =	sld [smem:$0x3FFE];
	_ =	sdelay $0x1  }
0x8a: {  	s1 =	srdreg.scid  }
0x8b: {  	s0 =	sand.u32 $0x1, s1  }
0x8c: {  	s17 =	sshll.u32 s0, $0xA;
	s2 =	sadd.s32 s3, s2  }
0x8d: {  	s2 =	sadd.s32 s2, s17  }
0x8e: {  	[smem:$0x3FBD] =	sst s2  }
0x8f: {  	_ = 	snop  }
0x90: {  	s2 =	sld [smem:$0x3FC9];
	(tm) =	ssettm $0x1  }
0x91: {  	s18 =	sld [smem:$0x3FFB];
	_ =	sdelay $0x3  }
0x92: {  	_ =	strace s18  }
0x93: {  	s3 =	sld [smem:$0x3FFC];
	_ =	sdelay $0x3  }
0x94: {  	_ =	strace s3  }
0x95: {  	s3 =	sld [smem:$0x3FFD];
	_ =	sdelay $0x3  }
0x96: {  	_ =	strace s3  }
0x97: {  	_ =	strace $0x8FFFFFFF  }
0x98: {  	s19 =	sld [smem:$0x3FDB];
	_ =	sdelay $0x1  }
0x99: {  	s4 =	simm.s32 $_scs_section_size  }
0x9a: {  	s5 =	simm.s32 $_size__tile_overlayer_lowered;
	s6 =	simm.s32 $_tile_overlayer_lowered  }
0x9b: {  	s22 =	simm.s32 $0x1BFF;
	s21 =	sshll.u32 s6, $0x1;
	s3 =	sadd.s32 s4, s19  }
0x9c: {  	s7 =	simm.s32 $0x0;
	s20 =	sshll.u32 s5, $0x1;
	s5 =	sadd.s32 s21, s3  }
0x9d: {  	[timem:s7], [sflag:s22] =	dma.local [hbm:s5], s20  }
0x9e: {  	_ =	swait.ge [sflag:s22], s20  }
0x9f: {  	s4 =	ssub.s32 $0x0, s20;
	[sflag:s22] =	ssyncset.done $0x0  }
0xa0: {  	[sflag:s22] =	ssyncadd.s32 s4;
	_ =	sdelay $0x1  }
0xa1: {  	s23 =	simm.s32 $0x1B8B  }
0xa2: {  	_ =	swait.ge [sflag:s23], $0x1  }
0xa3: {  	[sflag:s23] =	ssyncset.done $0x0  }
0xa4: {  	s25 =	simm.s32 $0x1B8E;
	s24 =	sld [smem:$0x3FFE];
	[sflag:s23] =	ssyncadd.s32 $0xFFFFFFFF  }
0xa5: {  	s26 =	simm.s32 $execute0_lowered;
	[smem:$0x3FD2] =	sst s25  }
0xa6: {  	s5 =	sshll.u32 s26, $0x1;
	_ =	strace $0x80000046;
	[dreg:$0x1] =	wrdreg $0xFFFFFFFF  }
0xa7: {  	s28 =	simm.s32 $_size_execute0_lowered;
	s3 =	sadd.s32 s3, s5;
	[dreg:$0x0] =	wrdreg $0x0  }
0xa8: {  	s5 =	sshll.u32 s28, $0x1;
	[dreg:$0x2] =	wrdreg s3  }
0xa9: {  	[dreg:$0x3] =	wrdreg s5  }
0xaa: {  	[dreg:$0x4] =	wrdreg $0xC0  }
0xab: {  	_ =	task [dreg:s7], $0x5FFFF  }
0xac: {  	[dreg:$0x1] =	wrdreg $0xFFFFFFFF  }
0xad: {  	[dreg:$0x0] =	wrdreg $0x60  }
0xae: {  	[dreg:$0x2] =	wrdreg s2  }
0xaf: {  	[dreg:$0x3] =	wrdreg s24  }
0xb0: {  	[dreg:$0x4] =	wrdreg $0x9  }
0xb1: {  	_ =	task.clear_ibuf [dreg:s7], $0x5FFFF;
	_ =	strace $0x90000046  }
0xb2: {  	s29 =	simm.s32 $0x9;
	_ =	strace $0x80000048  }
0xb3: {  	_ =	swait.ge [sflag:s29], $0x1  }
0xb4: {  	[sflag:s29] =	ssyncadd.s32 $0xFFFFFFFF  }
0xb5: {  	_ =	strace $0x90000048  }
0xb6: {  	_ =	sfence  }
0xb7: {  	s30 =	sld [smem:$0x0];
	_ =	sdelay $0x2  }
0xb8: {  	s31 =	sshll.u32 s1, $0xD;
	s1 =	sshrl.u32 s1, $0x2  }
0xb9: {  	s3 =	sand.u32 $0x4000, s31;
	s1 =	sadd.s32 s1, s30  }
0xba: {  	s0 =	sor.u32 s3, s0;
	s1 =	sshll.u32 s1, $0x11  }
0xbb: {  	s0 =	sor.u32 s1, s0  }
0xbc: {  	s0 =	sadd.s32 $0x8F2B, s0  }
0xbd: {  	[sflag:s0] =	ssyncadd.remote.s32 $0x1  }
0xbe: {  	_ =	sfence.sel $0xFFFF  }
0xbf: {  	[dreg:$0x0] =	wrdreg $0xFFFFFFFF;
	(pc) =	sbr.abs _section_cstart, $3  }
0xc0: {  	[dreg:$0x1] =	wrdreg $0xFFFFFFFF  }
0xc1: {  	_ =	task.clear_ibuf [dreg:s7], $0x2FFFF;
	_ =	strace $0x9FFFFFFF  }
0xc2: {  	(tm) =	ssettm $0x7FFFFFFF  }
0xc3: {  	_ =	shalt  }
tec
execute0_lowered:
.L_overlay_start_1:
0x0: {  	(tag) =	ssettag $0x1  }
0x1: {  	s0 =	rddreg [dreg:$0x0]  }
0x2: {  	s1 =	rddreg [dreg:$0x1]  }
0x3: {  	s2 =	srdreg.scid;
	s3 =	stileid.u32  }
0x4: {  	s26 =	simm.s32 $0x80;
	s8 =	simm.s32 $0x100;
	s11 =	simm.s32 $0x1900  }
0x5: {  	s12 =	simm.s32 $0x2100;
	s13 =	simm.s32 $0x2900;
	s14 =	simm.s32 $0x3100  }
0x6: {  	s15 =	simm.s32 $0x3900;
	s16 =	simm.s32 $0x4100;
	s17 =	simm.s32 $0x4900  }
0x7: {  	s18 =	simm.s32 $0x5100;
	s19 =	simm.s32 $0x5900;
	s20 =	simm.s32 $0x6100  }
0x8: {  	s21 =	simm.s32 $0x6900;
	s22 =	simm.s32 $0x7100;
	s23 =	simm.s32 $0x7900  }
0x9: {  	s28 =	simm.s32 $0x9900;
	s29 =	simm.s32 $0xA100;
	s30 =	simm.s32 $0xA900  }
0xa: {  	s31 =	simm.s32 $0xB100;
	s4 =	sand.u32 $0x1, s2;
	s2 =	simm.s32 $0x0  }
0xb: {  	s3 =	sshll.u32 s3, $0x4;
	s5 =	sshll.u32 s4, $0x3;
	[smem:$0x7FF] =	sst s2  }
0xc: {  	s4 =	ssub.s32 $0x2, s4;
	s5 =	sor.u32 s5, s3;
	_ =	strace $0x80000047  }
0xd: {  	s3 =	sadd.s32 $0x2200, s1;
	s24 =	sshrl.u32 s4, $0x1;
	[dreg:$0x6] =	wrdreg s26  }
0xe: {  	s26 =	simm.s32 $0x9100;
	s6 =	sadd.s32 s5, s1;
	s5 =	smul.u32 $0x300, s5  }
0xf: {  	s25 =	ssub.s32 s4, s24;
	s4 =	sadd.s32 $0x2300, s1;
	s7 =	sadd.s32 $0x1E00, s6  }
0x10: {  	s24 =	simm.s32 $0x8100;
	s6 =	sadd.s32 $0x2000, s6;
	[dreg:$0x3] =	wrdreg s7  }
0x11: {  	v2 =	vlaneseq.u32;
	[dreg:$0x4] =	wrdreg s6;
	s0 =	sadd.s32 s0, s5;
	s5 =	sadd.s32 $0x2400, s1  }
0x12: {  	vm0 =	vmmov $0xffff;
	v1 =	vshrl.u32 v2, $0x3;
	s6 =	smax.u32 s25, $0x1;
	s7 =	simm.s32 $0x2;
	s25 =	simm.s32 $0x8900  }
0x13: {  	v0 =	vand.u32 $0x7, v2;
	v2 =	vor.u32 $0x8, v2;
	v1 =	vmul.u32 $0x8, v1;
	s1 =	simm.s32 $0x1;
	[dreg:$0x5] =	wrdreg s0;
	s0 =	simm.s32 $0xB900  }
.LBB2_1:
0x14: {  	s9 =	rddreg [dreg:$0x3]  }
0x15: {  	[tilespmem:s2], [sflag:$0x2] =	stream.linear.gather [hbm4b:s9+s2], $0x40, $0x38;
	[tilespmem:$0xC100] =	vst v63  }
0x16: {  	_ =	swait.ge [sflag:s7], $0x40  }
0x17: {  	s9 =	rddreg [dreg:$0x4];
	[sflag:s7] =	ssyncset.done $0x0  }
0x18: {  	s10 =	rddreg [dreg:$0x6];
	[sflag:s7] =	ssyncadd.s32 $0xFFFFFFC0  }
0x19: {  	[tilespmem:s10], [sflag:$0x2] =	stream.linear.gather [hbm4b:s9+s2], $0x40, $0x38;
	[tilespmem:$0xC100] =	vst v63  }
0x1a: {  	_ =	swait.ge [sflag:s7], $0x40  }
0x1b: {  	[sflag:s7] =	ssyncset.done $0x0  }
0x1c: {  	s10 =	rddreg [dreg:$0x5];
	[sflag:s7] =	ssyncadd.s32 $0xFFFFFFC0  }
0x1d: {  	[tilespmem:s8], [sflag:$0x2] =	stream.linear.gather [hbm4b:s10+s2], $0xC000, $0x38;
	[tilespmem:$0xC100] =	vst v63  }
0x1e: {  	_ =	swait.ge [sflag:s7], $0xC000  }
0x1f: {  	[sflag:s7] =	ssyncset.done $0x0  }
0x20: {  	[sflag:s7] =	ssyncadd.s32 $0xFFFF4000  }
0x21: {  	v3 =	vld [tilespmem:$0x0];
	_ =	sdelay $0x4  }
0x22: {  	v4 =	vshrl.u32 v3, $0x3  }
0x23: {  	v4 =	vmul.u32 $0x30, v4  }
0x24: {  	v3 =	vand.u32 $0x7, v3  }
0x25: {  	v3 =	vor.u32 v3, v4  }
0x26: {  	v4 =	vperm.xlane v3, v0;
	_ =	sdelay $0x1  }
0x27: {  	v4 =	vadd.s32 v1, v4;
	_ =	sdelay $0x3  }
0x28: {  	v3 =	vperm.xlane v3, v2  }
0x29: {  	[hbm4b:s3+s2] =	stream.indirect_vreg.scatter [tilespmem:s8], [sflag:$0x1], $0x80, v4, vm0, $0xb8;
	[tilespmem:$0xC100] =	vst v63  }
0x2a: {  	s9 =	simm.s32 $0x900;
	v3 =	vadd.s32 v1, v3  }
0x2b: {  	[hbm4b:s4+s2] =	stream.indirect_vreg.scatter [tilespmem:s9], [sflag:$0x1], $0x80, v4, vm0, $0xb8;
	[tilespmem:$0xC100] =	vst v63  }
0x2c: {  	s10 =	simm.s32 $0x1100  }
0x2d: {  	[hbm4b:s5+s2] =	stream.indirect_vreg.scatter [tilespmem:s10], [sflag:$0x1], $0x80, v4, vm0, $0xb8;
	[tilespmem:$0xC100] =	vst v63  }
0x2e: {  	_ = 	snop  }
0x2f: {  	[hbm4b:s3+s2] =	stream.indirect_vreg.scatter [tilespmem:s11], [sflag:$0x1], $0x80, v3, vm0, $0xb8;
	[tilespmem:$0xC100] =	vst v63  }
0x30: {  	_ = 	snop  }
0x31: {  	[hbm4b:s4+s2] =	stream.indirect_vreg.scatter [tilespmem:s12], [sflag:$0x1], $0x80, v3, vm0, $0xb8;
	[tilespmem:$0xC100] =	vst v63  }
0x32: {  	_ = 	snop  }
0x33: {  	[hbm4b:s5+s2] =	stream.indirect_vreg.scatter [tilespmem:s13], [sflag:$0x1], $0x80, v3, vm0, $0xb8;
	[tilespmem:$0xC100] =	vst v63  }
0x34: {  	v3 =	vld [tilespmem:$0x10];
	_ =	sdelay $0x4  }
0x35: {  	v57 =	vshrl.u32 v3, $0x3  }
0x36: {  	v4 =	vmul.u32 $0x30, v57  }
0x37: {  	v3 =	vand.u32 $0x7, v3  }
0x38: {  	v3 =	vor.u32 v3, v4  }
0x39: {  	v4 =	vperm.xlane v3, v0;
	_ =	sdelay $0x1  }
0x3a: {  	v4 =	vadd.s32 v1, v4;
	_ =	sdelay $0x3  }
0x3b: {  	v3 =	vperm.xlane v3, v2  }
0x3c: {  	[hbm4b:s3+s2] =	stream.indirect_vreg.scatter [tilespmem:s14], [sflag:$0x1], $0x80, v4, vm0, $0xb8;
	[tilespmem:$0xC100] =	vst v63  }
0x3d: {  	v3 =	vadd.s32 v1, v3  }
0x3e: {  	[hbm4b:s4+s2] =	stream.indirect_vreg.scatter [tilespmem:s15], [sflag:$0x1], $0x80, v4, vm0, $0xb8;
	[tilespmem:$0xC100] =	vst v63  }
0x3f: {  	_ = 	snop  }
0x40: {  	[hbm4b:s5+s2] =	stream.indirect_vreg.scatter [tilespmem:s16], [sflag:$0x1], $0x80, v4, vm0, $0xb8;
	[tilespmem:$0xC100] =	vst v63  }
0x41: {  	_ = 	snop  }
0x42: {  	[hbm4b:s3+s2] =	stream.indirect_vreg.scatter [tilespmem:s17], [sflag:$0x1], $0x80, v3, vm0, $0xb8;
	[tilespmem:$0xC100] =	vst v63  }
0x43: {  	_ = 	snop  }
0x44: {  	[hbm4b:s4+s2] =	stream.indirect_vreg.scatter [tilespmem:s18], [sflag:$0x1], $0x80, v3, vm0, $0xb8;
	[tilespmem:$0xC100] =	vst v63  }
0x45: {  	_ = 	snop  }
0x46: {  	[hbm4b:s5+s2] =	stream.indirect_vreg.scatter [tilespmem:s19], [sflag:$0x1], $0x80, v3, vm0, $0xb8;
	[tilespmem:$0xC100] =	vst v63  }
0x47: {  	v3 =	vld [tilespmem:$0x20];
	_ =	sdelay $0x4  }
0x48: {  	v58 =	vshrl.u32 v3, $0x3  }
0x49: {  	v4 =	vmul.u32 $0x30, v58  }
0x4a: {  	v3 =	vand.u32 $0x7, v3  }
0x4b: {  	v3 =	vor.u32 v3, v4  }
0x4c: {  	v4 =	vperm.xlane v3, v0;
	_ =	sdelay $0x1  }
0x4d: {  	v4 =	vadd.s32 v1, v4;
	_ =	sdelay $0x3  }
0x4e: {  	v3 =	vperm.xlane v3, v2  }
0x4f: {  	[hbm4b:s3+s2] =	stream.indirect_vreg.scatter [tilespmem:s20], [sflag:$0x1], $0x80, v4, vm0, $0xb8;
	[tilespmem:$0xC100] =	vst v63  }
0x50: {  	v3 =	vadd.s32 v1, v3  }
0x51: {  	[hbm4b:s4+s2] =	stream.indirect_vreg.scatter [tilespmem:s21], [sflag:$0x1], $0x80, v4, vm0, $0xb8;
	[tilespmem:$0xC100] =	vst v63  }
0x52: {  	_ = 	snop  }
0x53: {  	[hbm4b:s5+s2] =	stream.indirect_vreg.scatter [tilespmem:s22], [sflag:$0x1], $0x80, v4, vm0, $0xb8;
	[tilespmem:$0xC100] =	vst v63  }
0x54: {  	_ = 	snop  }
0x55: {  	[hbm4b:s3+s2] =	stream.indirect_vreg.scatter [tilespmem:s23], [sflag:$0x1], $0x80, v3, vm0, $0xb8;
	[tilespmem:$0xC100] =	vst v63  }
0x56: {  	_ = 	snop  }
0x57: {  	[hbm4b:s4+s2] =	stream.indirect_vreg.scatter [tilespmem:s24], [sflag:$0x1], $0x80, v3, vm0, $0xb8;
	[tilespmem:$0xC100] =	vst v63  }
0x58: {  	_ = 	snop  }
0x59: {  	[hbm4b:s5+s2] =	stream.indirect_vreg.scatter [tilespmem:s25], [sflag:$0x1], $0x80, v3, vm0, $0xb8;
	[tilespmem:$0xC100] =	vst v63  }
0x5a: {  	v3 =	vld [tilespmem:$0x30];
	_ =	sdelay $0x4  }
0x5b: {  	v59 =	vshrl.u32 v3, $0x3  }
0x5c: {  	v4 =	vmul.u32 $0x30, v59  }
0x5d: {  	v3 =	vand.u32 $0x7, v3  }
0x5e: {  	v3 =	vor.u32 v3, v4  }
0x5f: {  	v4 =	vperm.xlane v3, v0;
	_ =	sdelay $0x1  }
0x60: {  	v4 =	vadd.s32 v1, v4;
	_ =	sdelay $0x3  }
0x61: {  	v3 =	vperm.xlane v3, v2  }
0x62: {  	[hbm4b:s3+s2] =	stream.indirect_vreg.scatter [tilespmem:s26], [sflag:$0x1], $0x80, v4, vm0, $0xb8;
	[tilespmem:$0xC100] =	vst v63  }
0x63: {  	v3 =	vadd.s32 v1, v3  }
0x64: {  	[hbm4b:s4+s2] =	stream.indirect_vreg.scatter [tilespmem:s28], [sflag:$0x1], $0x80, v4, vm0, $0xb8;
	[tilespmem:$0xC100] =	vst v63  }
0x65: {  	_ = 	snop  }
0x66: {  	[hbm4b:s5+s2] =	stream.indirect_vreg.scatter [tilespmem:s29], [sflag:$0x1], $0x80, v4, vm0, $0xb8;
	[tilespmem:$0xC100] =	vst v63  }
0x67: {  	_ = 	snop  }
0x68: {  	[hbm4b:s3+s2] =	stream.indirect_vreg.scatter [tilespmem:s30], [sflag:$0x1], $0x80, v3, vm0, $0xb8;
	[tilespmem:$0xC100] =	vst v63  }
0x69: {  	_ = 	snop  }
0x6a: {  	[hbm4b:s4+s2] =	stream.indirect_vreg.scatter [tilespmem:s31], [sflag:$0x1], $0x80, v3, vm0, $0xb8;
	[tilespmem:$0xC100] =	vst v63  }
0x6b: {  	_ = 	snop  }
0x6c: {  	[hbm4b:s5+s2] =	stream.indirect_vreg.scatter [tilespmem:s0], [sflag:$0x1], $0x80, v3, vm0, $0xb8;
	[tilespmem:$0xC100] =	vst v63  }
0x6d: {  	_ =	swait.ge [sflag:s1], $0xC000  }
0x6e: {  	[sflag:s1] =	ssyncset.done $0x0  }
0x6f: {  	[sflag:s1] =	ssyncadd.s32 $0xFFFF4000  }
0x70: {  	v3 =	vld [tilespmem:$0x80];
	_ =	sdelay $0x4  }
0x71: {  	v60 =	vshrl.u32 v3, $0x3  }
0x72: {  	v4 =	vmul.u32 $0x30, v60  }
0x73: {  	v3 =	vand.u32 $0x7, v3  }
0x74: {  	v3 =	vor.u32 v3, v4  }
0x75: {  	v4 =	vperm.xlane v3, v0;
	_ =	sdelay $0x1  }
0x76: {  	v4 =	vadd.s32 v1, v4;
	_ =	sdelay $0x3  }
0x77: {  	v3 =	vperm.xlane v3, v2  }
0x78: {  	[hbm4b:s3+s2] =	stream.indirect_vreg.scatter [tilespmem:s8], [sflag:$0x1], $0x80, v4, vm0, $0xb8;
	[tilespmem:$0xC100] =	vst v63  }
0x79: {  	v3 =	vadd.s32 v1, v3  }
0x7a: {  	[hbm4b:s4+s2] =	stream.indirect_vreg.scatter [tilespmem:s9], [sflag:$0x1], $0x80, v4, vm0, $0xb8;
	[tilespmem:$0xC100] =	vst v63  }
0x7b: {  	_ = 	snop  }
0x7c: {  	[hbm4b:s5+s2] =	stream.indirect_vreg.scatter [tilespmem:s10], [sflag:$0x1], $0x80, v4, vm0, $0xb8;
	[tilespmem:$0xC100] =	vst v63  }
0x7d: {  	_ = 	snop  }
0x7e: {  	[hbm4b:s3+s2] =	stream.indirect_vreg.scatter [tilespmem:s11], [sflag:$0x1], $0x80, v3, vm0, $0xb8;
	[tilespmem:$0xC100] =	vst v63  }
0x7f: {  	_ = 	snop  }
0x80: {  	[hbm4b:s4+s2] =	stream.indirect_vreg.scatter [tilespmem:s12], [sflag:$0x1], $0x80, v3, vm0, $0xb8;
	[tilespmem:$0xC100] =	vst v63  }
0x81: {  	_ = 	snop  }
0x82: {  	[hbm4b:s5+s2] =	stream.indirect_vreg.scatter [tilespmem:s13], [sflag:$0x1], $0x80, v3, vm0, $0xb8;
	[tilespmem:$0xC100] =	vst v63  }
0x83: {  	v3 =	vld [tilespmem:$0x90];
	_ =	sdelay $0x4  }
0x84: {  	v61 =	vshrl.u32 v3, $0x3  }
0x85: {  	v4 =	vmul.u32 $0x30, v61  }
0x86: {  	v3 =	vand.u32 $0x7, v3  }
0x87: {  	v3 =	vor.u32 v3, v4  }
0x88: {  	v4 =	vperm.xlane v3, v0;
	_ =	sdelay $0x1  }
0x89: {  	v4 =	vadd.s32 v1, v4;
	_ =	sdelay $0x3  }
0x8a: {  	v3 =	vperm.xlane v3, v2  }
0x8b: {  	[hbm4b:s3+s2] =	stream.indirect_vreg.scatter [tilespmem:s14], [sflag:$0x1], $0x80, v4, vm0, $0xb8;
	[tilespmem:$0xC100] =	vst v63  }
0x8c: {  	v3 =	vadd.s32 v1, v3  }
0x8d: {  	[hbm4b:s4+s2] =	stream.indirect_vreg.scatter [tilespmem:s15], [sflag:$0x1], $0x80, v4, vm0, $0xb8;
	[tilespmem:$0xC100] =	vst v63  }
0x8e: {  	_ = 	snop  }
0x8f: {  	[hbm4b:s5+s2] =	stream.indirect_vreg.scatter [tilespmem:s16], [sflag:$0x1], $0x80, v4, vm0, $0xb8;
	[tilespmem:$0xC100] =	vst v63  }
0x90: {  	_ = 	snop  }
0x91: {  	[hbm4b:s3+s2] =	stream.indirect_vreg.scatter [tilespmem:s17], [sflag:$0x1], $0x80, v3, vm0, $0xb8;
	[tilespmem:$0xC100] =	vst v63  }
0x92: {  	_ = 	snop  }
0x93: {  	[hbm4b:s4+s2] =	stream.indirect_vreg.scatter [tilespmem:s18], [sflag:$0x1], $0x80, v3, vm0, $0xb8;
	[tilespmem:$0xC100] =	vst v63  }
0x94: {  	_ = 	snop  }
0x95: {  	[hbm4b:s5+s2] =	stream.indirect_vreg.scatter [tilespmem:s19], [sflag:$0x1], $0x80, v3, vm0, $0xb8;
	[tilespmem:$0xC100] =	vst v63  }
0x96: {  	v3 =	vld [tilespmem:$0xA0];
	_ =	sdelay $0x4  }
0x97: {  	v62 =	vshrl.u32 v3, $0x3  }
0x98: {  	v4 =	vmul.u32 $0x30, v62  }
0x99: {  	v3 =	vand.u32 $0x7, v3  }
0x9a: {  	v3 =	vor.u32 v3, v4  }
0x9b: {  	v4 =	vperm.xlane v3, v0;
	_ =	sdelay $0x1  }
0x9c: {  	v4 =	vadd.s32 v1, v4;
	_ =	sdelay $0x3  }
0x9d: {  	v3 =	vperm.xlane v3, v2  }
0x9e: {  	[hbm4b:s3+s2] =	stream.indirect_vreg.scatter [tilespmem:s20], [sflag:$0x1], $0x80, v4, vm0, $0xb8;
	[tilespmem:$0xC100] =	vst v63  }
0x9f: {  	v3 =	vadd.s32 v1, v3  }
0xa0: {  	[hbm4b:s4+s2] =	stream.indirect_vreg.scatter [tilespmem:s21], [sflag:$0x1], $0x80, v4, vm0, $0xb8;
	[tilespmem:$0xC100] =	vst v63  }
0xa1: {  	_ = 	snop  }
0xa2: {  	[hbm4b:s5+s2] =	stream.indirect_vreg.scatter [tilespmem:s22], [sflag:$0x1], $0x80, v4, vm0, $0xb8;
	[tilespmem:$0xC100] =	vst v63  }
0xa3: {  	_ = 	snop  }
0xa4: {  	[hbm4b:s3+s2] =	stream.indirect_vreg.scatter [tilespmem:s23], [sflag:$0x1], $0x80, v3, vm0, $0xb8;
	[tilespmem:$0xC100] =	vst v63  }
0xa5: {  	_ = 	snop  }
0xa6: {  	[hbm4b:s4+s2] =	stream.indirect_vreg.scatter [tilespmem:s24], [sflag:$0x1], $0x80, v3, vm0, $0xb8;
	[tilespmem:$0xC100] =	vst v63  }
0xa7: {  	_ = 	snop  }
0xa8: {  	[hbm4b:s5+s2] =	stream.indirect_vreg.scatter [tilespmem:s25], [sflag:$0x1], $0x80, v3, vm0, $0xb8;
	[tilespmem:$0xC100] =	vst v63  }
0xa9: {  	v3 =	vld [tilespmem:$0xB0];
	_ =	sdelay $0x4  }
0xaa: {  	v63 =	vshrl.u32 v3, $0x3  }
0xab: {  	v4 =	vmul.u32 $0x30, v63  }
0xac: {  	v3 =	vand.u32 $0x7, v3  }
0xad: {  	v3 =	vor.u32 v3, v4  }
0xae: {  	v4 =	vperm.xlane v3, v0;
	_ =	sdelay $0x1  }
0xaf: {  	v4 =	vadd.s32 v1, v4;
	_ =	sdelay $0x3  }
0xb0: {  	v3 =	vperm.xlane v3, v2  }
0xb1: {  	[hbm4b:s3+s2] =	stream.indirect_vreg.scatter [tilespmem:s26], [sflag:$0x1], $0x80, v4, vm0, $0xb8;
	[tilespmem:$0xC100] =	vst v63  }
0xb2: {  	v3 =	vadd.s32 v1, v3  }
0xb3: {  	[hbm4b:s4+s2] =	stream.indirect_vreg.scatter [tilespmem:s28], [sflag:$0x1], $0x80, v4, vm0, $0xb8;
	[tilespmem:$0xC100] =	vst v63  }
0xb4: {  	_ = 	snop  }
0xb5: {  	[hbm4b:s5+s2] =	stream.indirect_vreg.scatter [tilespmem:s29], [sflag:$0x1], $0x80, v4, vm0, $0xb8;
	[tilespmem:$0xC100] =	vst v63  }
0xb6: {  	_ = 	snop  }
0xb7: {  	[hbm4b:s3+s2] =	stream.indirect_vreg.scatter [tilespmem:s30], [sflag:$0x1], $0x80, v3, vm0, $0xb8;
	[tilespmem:$0xC100] =	vst v63  }
0xb8: {  	p0 =	sne.s32 s6, $0x1  }
0xb9: {  	[hbm4b:s4+s2] =	stream.indirect_vreg.scatter [tilespmem:s31], [sflag:$0x1], $0x80, v3, vm0, $0xb8;
	[tilespmem:$0xC100] =	vst v63  }
.Ltmp0:
0xba: {  	_ = 	snop;
	(pc) =	sbr.rel @p0 .LBB2_1-.Ltmp0, $4  }
0xbb: {  	[hbm4b:s5+s2] =	stream.indirect_vreg.scatter [tilespmem:s0], [sflag:$0x1], $0x80, v3, vm0, $0xb8;
	[tilespmem:$0xC100] =	vst v63  }
0xbc: {  	_ =	swait.ge [sflag:s1], $0xC000  }
0xbd: {  	[sflag:s1] =	ssyncset.done $0x0  }
0xbe: {  	s6 =	sadd.s32 $0xFFFFFFFF, s6;
	[sflag:s1] =	ssyncadd.s32 $0xFFFF4000  }
0xbf: {  	_ =	sfence.sel $0x180000  }
0xc0: {  	[bflag:$0x0] =	sbarrier.arrive $0xFFFF  }
0xc1: {  	_ =	strace $0x90000047  }
0xc2: {  	s0 =	stileid.u32;
	[bflag:$0x2] =	sbarrier.arrive $0xFFFF  }
0xc3: {  	p0 =	sne.s32 s0, $0x0;
	s0 =	rddreg [dreg:$0x2]  }
0xc4: {  	s0 =	sadd.s32 @!p0 $0x100000, s0  }
0xc5: {  	[sflag:s0] =	ssyncadd.tile.s32 @!p0 $0x1;
	_ =	shalt  }
.Lfunc_end2:
_tile_overlayer_lowered:
.L_overlay_start_2:
0xc6: {  	(tag) =	ssettag $0x2  }
0xc7: {  	s0 =	rddreg [dreg:$0x0];
	s2 =	stileid.u32  }
0xc8: {  	s1 =	rddreg [dreg:$0x1];
	p0 =	sne.s32 s2, $0x0  }
0xc9: {  	s3 =	rddreg [dreg:$0x2];
	[bflag:$0x3] =	sbarrier.arrive $0xFFFF;
	s2 =	simm.s32 @!p0 $0x1C02  }
0xca: {  	[timem:s3], [sflag:s2] =	dma.local @!p0 [hbm:s0], s1  }
0xcb: {  	s0 =	simm.s32 @!p0 $0x2  }
0xcc: {  	_ =	swait.ge @!p0 [sflag:s0], s1  }
0xcd: {  	s1 =	ssub.s32 @!p0 $0x0, s1;
	[sflag:s0] =	ssyncset.done @!p0 $0x0  }
0xce: {  	[sflag:s0] =	ssyncadd.s32 @!p0 s1  }
0xcf: {  	[bflag:$0x3] =	sbarrier.arrive $0xFFFF  }
0xd0: {  	_ =	shalt  }

</sc_bundles>
